<compile_context>
chip_gen: v7x
topology: tpu7x:2x2x1
jax: 0.10.2.dev20260603
libtpu: 0.0.44.dev20260713+nightly
codegen_flags: <defaults>
</compile_context>

<pallas_src>
import functools

import jax
import jax.numpy as jnp
from jax import lax
from jax.experimental import pallas as pl
from jax.experimental.pallas import tpu as pltpu
from jax.experimental.pallas import tpu_sc as plsc

VOCAB = 1000000
DIM = 32
NUM_VALUES = 327680
BATCH = 16384

VB = 16384
NROWBLK = (VOCAB + 4 * VB - 1) // (4 * VB)
PACKED_ROWS = NROWBLK * VB
TABLE_ROWS = PACKED_ROWS * 4

NC = 2
NS = 16
NW = NC * NS
B_PER_W = NUM_VALUES // NW
CHUNK = 1280
NCH = B_PER_W // CHUNK
LPW = BATCH // NW
OFFW = LPW + 8


def _transpose_block(src_ref, dst_ref):
    src = src_ref[...]
    stacked = jnp.concatenate(
        [src[:, k * VB:(k + 1) * VB] for k in range(4)], axis=0
    )
    dst_ref[...] = stacked.T


def _pack_table(table_t):
    return pl.pallas_call(
        _transpose_block,
        grid=(NROWBLK,),
        in_specs=[pl.BlockSpec((DIM, 4 * VB), lambda g: (0, g))],
        out_specs=pl.BlockSpec((VB, 4 * DIM), lambda g: (g, 0)),
        out_shape=jax.ShapeDtypeStruct((PACKED_ROWS, 4 * DIM), jnp.float32),
    )(table_t)


_mesh = plsc.VectorSubcoreMesh(core_axis_name="c", subcore_axis_name="s")


@functools.partial(
    pl.kernel,
    mesh=_mesh,
    compiler_params=pltpu.CompilerParams(use_tc_tiling_on_sc=False),
    out_type=(
        jax.ShapeDtypeStruct((NUM_VALUES, 128), jnp.float32),
        jax.ShapeDtypeStruct((NW, LPW), jnp.int32),
    ),
    scratch_types=[
        pltpu.VMEM((2, CHUNK), jnp.int32),
        pltpu.VMEM((2, CHUNK, DIM), jnp.float32),
        pltpu.VMEM((OFFW,), jnp.int32),
        pltpu.VMEM((LPW,), jnp.int32),
        pltpu.SemaphoreType.DMA,
        pltpu.SemaphoreType.DMA,
        pltpu.SemaphoreType.DMA,
        pltpu.SemaphoreType.DMA,
    ],
)
def _sc_lookup(values_h, offsets_h, table_h, emb_h, len_h,
               idx_v, rows_v, off_v, len_v, gsem0, gsem1, osem0, osem1):
    wid = lax.axis_index("s") * NC + lax.axis_index("c")
    gsem = (gsem0, gsem1)
    osem = (osem0, osem1)

    def remap(i, b):
        v = idx_v[b, pl.ds(i * 16, 16)]
        idx_v[b, pl.ds(i * 16, 16)] = (
            ((v >> 16) << 16) + ((v & 16383) << 2) + ((v >> 14) & 3)
        )
        return 0

    def fire(g, b):
        pltpu.sync_copy(values_h.at[wid, g], idx_v.at[b])
        lax.fori_loop(0, CHUNK // 16, lambda i, c: remap(i, b), 0)
        return pltpu.async_copy(table_h.at[idx_v.at[b]], rows_v.at[b], gsem[b])

    gh = [None, None]
    oh = [None, None]
    gh[0] = fire(0, 0)

    pltpu.sync_copy(offsets_h.at[pl.ds(wid * LPW, OFFW)], off_v)
    for j in range(LPW // 16):
        a = off_v[pl.ds(j * 16, 16)]
        b = off_v[pl.ds(j * 16 + 1, 16)]
        len_v[pl.ds(j * 16, 16)] = b - a
    pltpu.sync_copy(len_v, len_h.at[wid])

    for g in range(NCH):
        cur = g & 1
        nxt = cur ^ 1
        if g + 1 < NCH:
            if oh[nxt] is not None:
                oh[nxt].wait()
            gh[nxt] = fire(g + 1, nxt)
        gh[cur].wait()
        oh[cur] = pltpu.async_copy(
            rows_v.at[cur],
            emb_h.at[pl.ds(wid * B_PER_W + g * CHUNK, CHUNK), pl.ds(0, DIM)],
            osem[cur],
        )
    oh[0].wait()
    oh[1].wait()


def kernel(values, offsets, table):
    packed = _pack_table(table.T)
    table_rm = packed.reshape(TABLE_ROWS, DIM)
    values_r = values.astype(jnp.int32).reshape(NW, NCH, CHUNK)
    offsets_p = jnp.pad(offsets.astype(jnp.int32), (0, NW * LPW + OFFW - (BATCH + 1)))
    emb_pad, lens = _sc_lookup(values_r, offsets_p, table_rm)
    return emb_pad[:, :DIM], lens.reshape(BATCH)

# --- scband reference (transcript-rebuilt; emitter-appended) ---
"""Pipeline reference for scband-inference-dynamic-embedding-collection-10728828305837 (READ-ONLY COPY).

The authoritative reference and input builder live on the scoring server;
editing this copy changes nothing except your own understanding.
"""

import jax, jax.numpy as jnp
import numpy as np

VOCAB = 1000000
DIM = 32
NUM_VALUES = 327680
BATCH = 16384


def setup_inputs(seed: int = 0) -> dict:
    key = jax.random.key(seed)
    k_vals, k_off, k_tab = jax.random.split(key, 3)
    values = jax.random.randint(k_vals, (NUM_VALUES,), 0, VOCAB, dtype=jnp.int64) if jax.config.jax_enable_x64 else jax.random.randint(k_vals, (NUM_VALUES,), 0, VOCAB).astype(jnp.int32)
    offsets = jnp.sort(jax.random.randint(k_off, (BATCH + 1,), 0, NUM_VALUES)).astype(jnp.int32)
    table = jax.random.normal(k_tab, (VOCAB, DIM), dtype=jnp.float32) * 0.01
    return {"values": values, "offsets": offsets, "table": table}


def reference(values, offsets, table):
    # Faithful to InferenceDynamicEmbeddingCollection.forward with
    # DynamicEmbPoolingMode.NONE: a pure per-id embedding gather.
    # The KeyedJaggedTensor structure (values, offsets) is preserved:
    # output embeddings are jagged values aligned with input ids;
    # offsets/lengths pass through unchanged (to_dict packaging).
    embeddings = jnp.take(table, values, axis=0)
    lengths = offsets[1:] - offsets[:-1]
    return embeddings, lengths

if __name__ == "__main__":
    import jax
    _d = setup_inputs()
    print(jax.jit(kernel)(*tuple(_d.values())))

</pallas_src>

<mosaic_0001>
#map = affine_map<(d0, d1) -> (0, 0, 0)>
#map1 = affine_map<(d0, d1) -> (0)>
#map2 = affine_map<(d0, d1) -> (0, 0)>
module attributes {stable_mosaic.version = 14 : i64} {
  func.func @_sc_lookup(%arg0: i32, %arg1: i32, %arg2: memref<32x8x1280xi32, #tpu.memory_space<hbm>>, %arg3: memref<16904xi32, #tpu.memory_space<hbm>>, %arg4: memref<1048576x32xf32, #tpu.memory_space<hbm>>, %arg5: memref<327680x128xf32, #tpu.memory_space<hbm>>, %arg6: memref<32x512xi32, #tpu.memory_space<hbm>>, %arg7: memref<2x1280xi32, #tpu.memory_space<vmem>>, %arg8: memref<2x1280x32xf32, #tpu.memory_space<vmem>>, %arg9: memref<520xi32, #tpu.memory_space<vmem>>, %arg10: memref<512xi32, #tpu.memory_space<vmem>>, %arg11: memref<!tpu.dma_semaphore, #tpu.memory_space<semaphore_mem>>, %arg12: memref<!tpu.dma_semaphore, #tpu.memory_space<semaphore_mem>>, %arg13: memref<!tpu.dma_semaphore, #tpu.memory_space<semaphore_mem>>, %arg14: memref<!tpu.dma_semaphore, #tpu.memory_space<semaphore_mem>>) attributes {dimension_semantics = [#tpu.dimension_semantics<core_parallel>, #tpu.dimension_semantics<subcore_parallel>], iteration_bounds = array<i64: 2, 16>, scalar_prefetch = 0 : i64, scratch_operands = 8 : i64, tpu.core_type = #tpu.core_type<sc_vector_subcore>, window_params = [{transform_indices = #map}, {transform_indices = #map1}, {transform_indices = #map2}, {transform_indices = #map2}, {transform_indices = #map2}]} {
    %mul3A = arith.constant 2 : i32
    %mul3A_0 = arith.muli %arg1, %mul3A : i32
    %add3A = arith.addi %mul3A_0, %arg0 : i32
    %run_scoped3A = arith.constant 0 : i32
    %run_scoped3A_1 = arith.constant 0 : i32
    "tpu.region"() ({
      %run_scoped3A_852 = tpu.sem_alloc : memref<!tpu.dma_semaphore, #tpu.memory_space<semaphore_mem>>
      %dma_start3A_853 = arith.constant 0 : i32
      %dma_start3A_854 = tpu.memref_slice %arg7[%run_scoped3A_1, %dma_start3A_853] : memref<2x1280xi32, #tpu.memory_space<vmem>> -> memref<1x1280xi32, #tpu.memory_space<vmem>>
      %dma_start3A_855 = tpu.memref_squeeze %dma_start3A_854 : memref<1x1280xi32, #tpu.memory_space<vmem>> -> memref<1280xi32, #tpu.memory_space<vmem>>
      %dma_start3A_856 = arith.constant 0 : i32
      %dma_start3A_857 = tpu.memref_slice %arg2[%add3A, %run_scoped3A, %dma_start3A_856] : memref<32x8x1280xi32, #tpu.memory_space<hbm>> -> memref<1x1x1280xi32, #tpu.memory_space<hbm>>
      %dma_start3A_858 = tpu.memref_squeeze %dma_start3A_857 : memref<1x1x1280xi32, #tpu.memory_space<hbm>> -> memref<1280xi32, #tpu.memory_space<hbm>>
      %dma_start3A_859 = arith.constant 0 : i32
      %dma_start3A_860 = tpu.memref_slice %arg7[%run_scoped3A_1, %dma_start3A_859] : memref<2x1280xi32, #tpu.memory_space<vmem>> -> memref<1x1280xi32, #tpu.memory_space<vmem>>
      %dma_start3A_861 = tpu.memref_squeeze %dma_start3A_860 : memref<1x1280xi32, #tpu.memory_space<vmem>> -> memref<1280xi32, #tpu.memory_space<vmem>>
      %dma_start3A_862 = arith.constant 0 : i32
      %dma_start3A_863 = tpu.memref_slice %arg2[%add3A, %run_scoped3A, %dma_start3A_862] : memref<32x8x1280xi32, #tpu.memory_space<hbm>> -> memref<1x1x1280xi32, #tpu.memory_space<hbm>>
      %dma_start3A_864 = tpu.memref_squeeze %dma_start3A_863 : memref<1x1x1280xi32, #tpu.memory_space<hbm>> -> memref<1280xi32, #tpu.memory_space<hbm>>
      tpu.enqueue_dma source(%dma_start3A_864 : memref<1280xi32, #tpu.memory_space<hbm>>) target(%dma_start3A_861 : memref<1280xi32, #tpu.memory_space<vmem>>) target_semaphore(%run_scoped3A_852 : memref<!tpu.dma_semaphore, #tpu.memory_space<semaphore_mem>>)
      %dma_wait3A_865 = arith.constant 0 : i32
      %dma_wait3A_866 = tpu.memref_slice %arg7[%run_scoped3A_1, %dma_wait3A_865] : memref<2x1280xi32, #tpu.memory_space<vmem>> -> memref<1x1280xi32, #tpu.memory_space<vmem>>
      %dma_wait3A_867 = tpu.memref_squeeze %dma_wait3A_866 : memref<1x1280xi32, #tpu.memory_space<vmem>> -> memref<1280xi32, #tpu.memory_space<vmem>>
      %dma_wait3A_868 = arith.constant 0 : i32
      %dma_wait3A_869 = tpu.memref_slice %arg2[%add3A, %run_scoped3A, %dma_wait3A_868] : memref<32x8x1280xi32, #tpu.memory_space<hbm>> -> memref<1x1x1280xi32, #tpu.memory_space<hbm>>
      %dma_wait3A_870 = tpu.memref_squeeze %dma_wait3A_869 : memref<1x1x1280xi32, #tpu.memory_space<hbm>> -> memref<1280xi32, #tpu.memory_space<hbm>>
      %dma_wait3A_871 = arith.constant 0 : i32
      %dma_wait3A_872 = tpu.memref_slice %arg7[%run_scoped3A_1, %dma_wait3A_871] : memref<2x1280xi32, #tpu.memory_space<vmem>> -> memref<1x1280xi32, #tpu.memory_space<vmem>>
      %dma_wait3A_873 = tpu.memref_squeeze %dma_wait3A_872 : memref<1x1280xi32, #tpu.memory_space<vmem>> -> memref<1280xi32, #tpu.memory_space<vmem>>
      %dma_wait3A_874 = arith.constant 0 : i32
      %dma_wait3A_875 = tpu.memref_slice %arg2[%add3A, %run_scoped3A, %dma_wait3A_874] : memref<32x8x1280xi32, #tpu.memory_space<hbm>> -> memref<1x1x1280xi32, #tpu.memory_space<hbm>>
      %dma_wait3A_876 = tpu.memref_squeeze %dma_wait3A_875 : memref<1x1x1280xi32, #tpu.memory_space<hbm>> -> memref<1280xi32, #tpu.memory_space<hbm>>
      tpu.wait_dma2 semaphore(%run_scoped3A_852 : memref<!tpu.dma_semaphore, #tpu.memory_space<semaphore_mem>>) src(%dma_wait3A_876 : memref<1280xi32, #tpu.memory_space<hbm>>) dst(%dma_wait3A_873 : memref<1280xi32, #tpu.memory_space<vmem>>)
      tpu.yield
    }) : () -> ()
    %scan3A = arith.constant 0 : i32
    %scan3A_2 = arith.constant 0 : i32
    %scan3A_3 = arith.constant 80 : i32
    %scan3A_4 = arith.addi %scan3A_2, %scan3A_3 : i32
    %scan3A_5 = arith.constant 1 : i32
    %scan3A_6 = scf.for %scan3A_852 = %scan3A_2 to %scan3A_4 step %scan3A_5 iter_args(%scan3A_853 = %scan3A) -> (i32)  : i32 {
      %mul3A_854 = arith.constant 16 : i32
      %mul3A_855 = arith.muli %scan3A_852, %mul3A_854 : i32
      %get3A_856 = arith.constant 0 : i32
      %get3A_857 = arith.index_cast %get3A_856 : i32 to index
      %get3A_858 = arith.index_cast %mul3A_855 : i32 to index
      %get3A_859 = tpu.vector_load %arg7[%get3A_857, %get3A_858] {strides = array<i32>} : memref<2x1280xi32, #tpu.memory_space<vmem>>, vector<1x16xi32>,
      %get3A_860 = vector.shape_cast %get3A_859 : vector<1x16xi32> to vector<16xi32>
      %shift_right_arithmetic3A = arith.constant 16 : i32
      %shift_right_arithmetic3A_861 = vector.broadcast %shift_right_arithmetic3A : i32 to vector<16xi32>
      %shift_right_arithmetic3A_862 = arith.shrsi %get3A_860, %shift_right_arithmetic3A_861 : vector<16xi32>
      %shift_left3A = arith.constant 16 : i32
      %shift_left3A_863 = vector.broadcast %shift_left3A : i32 to vector<16xi32>
      %shift_left3A_864 = arith.shli %shift_right_arithmetic3A_862, %shift_left3A_863 : vector<16xi32>
      %and3A = arith.constant 16383 : i32
      %and3A_865 = vector.broadcast %and3A : i32 to vector<16xi32>
      %and3A_866 = arith.andi %get3A_860, %and3A_865 : vector<16xi32>
      %shift_left3A_867 = arith.constant 2 : i32
      %shift_left3A_868 = vector.broadcast %shift_left3A_867 : i32 to vector<16xi32>
      %shift_left3A_869 = arith.shli %and3A_866, %shift_left3A_868 : vector<16xi32>
      %add3A_870 = arith.addi %shift_left3A_864, %shift_left3A_869 : vector<16xi32>
      %shift_right_arithmetic3A_871 = arith.constant 14 : i32
      %shift_right_arithmetic3A_872 = vector.broadcast %shift_right_arithmetic3A_871 : i32 to vector<16xi32>
      %shift_right_arithmetic3A_873 = arith.shrsi %get3A_860, %shift_right_arithmetic3A_872 : vector<16xi32>
      %and3A_874 = arith.constant 3 : i32
      %and3A_875 = vector.broadcast %and3A_874 : i32 to vector<16xi32>
      %and3A_876 = arith.andi %shift_right_arithmetic3A_873, %and3A_875 : vector<16xi32>
      %add3A_877 = arith.addi %add3A_870, %and3A_876 : vector<16xi32>
      %mul3A_878 = arith.constant 16 : i32
      %mul3A_879 = arith.muli %scan3A_852, %mul3A_878 : i32
      %swap3A_880 = arith.constant 0 : i32
      %swap3A_881 = arith.index_cast %swap3A_880 : i32 to index
      %swap3A_882 = arith.index_cast %mul3A_879 : i32 to index
      %swap3A_883 = tpu.vector_load %arg7[%swap3A_881, %swap3A_882] {strides = array<i32>} : memref<2x1280xi32, #tpu.memory_space<vmem>>, vector<1x16xi32>,
      %swap3A_884 = vector.shape_cast %swap3A_883 : vector<1x16xi32> to vector<16xi32>
      %swap3A_885 = vector.shape_cast %add3A_877 : vector<16xi32> to vector<1x16xi32>
      tpu.vector_store %arg7[%swap3A_881, %swap3A_882], %swap3A_885 {strides = array<i32>} : memref<2x1280xi32, #tpu.memory_space<vmem>>, vector<1x16xi32>,
      %scan3A_886 = arith.constant 0 : i32
      scf.yield %scan3A_886 : i32
    }
    %scan3A_7 = arith.constant 80 : i32
    %dma_start3A = arith.constant 0 : i32
    %dma_start3A_8 = arith.constant 0 : i32
    %dma_start3A_9 = arith.constant 0 : i32
    %dma_start3A_10 = arith.constant 0 : i32
    %dma_start3A_11 = tpu.memref_slice %arg8[%dma_start3A_8, %dma_start3A_9, %dma_start3A_10] : memref<2x1280x32xf32, #tpu.memory_space<vmem>> -> memref<1x1280x32xf32, #tpu.memory_space<vmem>>
    %dma_start3A_12 = tpu.memref_squeeze %dma_start3A_11 : memref<1x1280x32xf32, #tpu.memory_space<vmem>> -> memref<1280x32xf32, #tpu.memory_space<vmem>>
    %dma_start3A_13 = arith.constant 0 : i32
    %dma_start3A_14 = tpu.memref_slice %arg7[%dma_start3A, %dma_start3A_13] : memref<2x1280xi32, #tpu.memory_space<vmem>> -> memref<1x1280xi32, #tpu.memory_space<vmem>>
    %dma_start3A_15 = tpu.memref_squeeze %dma_start3A_14 : memref<1x1280xi32, #tpu.memory_space<vmem>> -> memref<1280xi32, #tpu.memory_space<vmem>>
    %dma_start3A_16 = arith.constant 0 : i32
    %dma_start3A_17 = arith.constant 0 : i32
    %dma_start3A_18 = tpu.memref_slice %arg4[%dma_start3A_16, %dma_start3A_17] : memref<1048576x32xf32, #tpu.memory_space<hbm>> -> memref<1048576x32xf32, #tpu.memory_space<hbm>>
    tpu.enqueue_indirect_dma source(%dma_start3A_18 : memref<1048576x32xf32, #tpu.memory_space<hbm>>) target(%dma_start3A_12 : memref<1280x32xf32, #tpu.memory_space<vmem>>) offsets(%dma_start3A_15 : memref<1280xi32, #tpu.memory_space<vmem>>) semaphore(%arg11 : memref<!tpu.dma_semaphore, #tpu.memory_space<semaphore_mem>>)
    %mul3A_19 = arith.constant 512 : i32
    %mul3A_20 = arith.muli %add3A, %mul3A_19 : i32
    "tpu.region"() ({
      %run_scoped3A_852 = tpu.sem_alloc : memref<!tpu.dma_semaphore, #tpu.memory_space<semaphore_mem>>
      %dma_start3A_853 = tpu.memref_slice %arg3[%mul3A_20] : memref<16904xi32, #tpu.memory_space<hbm>> -> memref<520xi32, #tpu.memory_space<hbm>>
      %dma_start3A_854 = tpu.memref_slice %arg3[%mul3A_20] : memref<16904xi32, #tpu.memory_space<hbm>> -> memref<520xi32, #tpu.memory_space<hbm>>
      tpu.enqueue_dma source(%dma_start3A_854 : memref<520xi32, #tpu.memory_space<hbm>>) target(%arg9 : memref<520xi32, #tpu.memory_space<vmem>>) target_semaphore(%run_scoped3A_852 : memref<!tpu.dma_semaphore, #tpu.memory_space<semaphore_mem>>)
      %dma_wait3A_855 = tpu.memref_slice %arg3[%mul3A_20] : memref<16904xi32, #tpu.memory_space<hbm>> -> memref<520xi32, #tpu.memory_space<hbm>>
      %dma_wait3A_856 = tpu.memref_slice %arg3[%mul3A_20] : memref<16904xi32, #tpu.memory_space<hbm>> -> memref<520xi32, #tpu.memory_space<hbm>>
      tpu.wait_dma2 semaphore(%run_scoped3A_852 : memref<!tpu.dma_semaphore, #tpu.memory_space<semaphore_mem>>) src(%dma_wait3A_856 : memref<520xi32, #tpu.memory_space<hbm>>) dst(%arg9 : memref<520xi32, #tpu.memory_space<vmem>>)
      tpu.yield
    }) : () -> ()
    %get3A = arith.constant 0 : index
    %get3A_21 = tpu.vector_load %arg9[%get3A] {strides = array<i32>} : memref<520xi32, #tpu.memory_space<vmem>>, vector<16xi32>,
    %get3A_22 = vector.shape_cast %get3A_21 : vector<16xi32> to vector<16xi32>
    %get3A_23 = arith.constant 1 : index
    %get3A_24 = tpu.vector_load %arg9[%get3A_23] {strides = array<i32>} : memref<520xi32, #tpu.memory_space<vmem>>, vector<16xi32>,
    %get3A_25 = vector.shape_cast %get3A_24 : vector<16xi32> to vector<16xi32>
    %sub3A = arith.subi %get3A_25, %get3A_22 : vector<16xi32>
    %swap3A = arith.constant 0 : index
    %swap3A_26 = tpu.vector_load %arg10[%swap3A] {strides = array<i32>} : memref<512xi32, #tpu.memory_space<vmem>>, vector<16xi32>,
    %swap3A_27 = vector.shape_cast %swap3A_26 : vector<16xi32> to vector<16xi32>
    %swap3A_28 = vector.shape_cast %sub3A : vector<16xi32> to vector<16xi32>
    tpu.vector_store %arg10[%swap3A], %swap3A_28 {strides = array<i32>} : memref<512xi32, #tpu.memory_space<vmem>>, vector<16xi32>,
    %get3A_29 = arith.constant 16 : index
    %get3A_30 = tpu.vector_load %arg9[%get3A_29] {strides = array<i32>} : memref<520xi32, #tpu.memory_space<vmem>>, vector<16xi32>,
    %get3A_31 = vector.shape_cast %get3A_30 : vector<16xi32> to vector<16xi32>
    %get3A_32 = arith.constant 17 : index
    %get3A_33 = tpu.vector_load %arg9[%get3A_32] {strides = array<i32>} : memref<520xi32, #tpu.memory_space<vmem>>, vector<16xi32>,
    %get3A_34 = vector.shape_cast %get3A_33 : vector<16xi32> to vector<16xi32>
    %sub3A_35 = arith.subi %get3A_34, %get3A_31 : vector<16xi32>
    %swap3A_36 = arith.constant 16 : index
    %swap3A_37 = tpu.vector_load %arg10[%swap3A_36] {strides = array<i32>} : memref<512xi32, #tpu.memory_space<vmem>>, vector<16xi32>,
    %swap3A_38 = vector.shape_cast %swap3A_37 : vector<16xi32> to vector<16xi32>
    %swap3A_39 = vector.shape_cast %sub3A_35 : vector<16xi32> to vector<16xi32>
    tpu.vector_store %arg10[%swap3A_36], %swap3A_39 {strides = array<i32>} : memref<512xi32, #tpu.memory_space<vmem>>, vector<16xi32>,
    %get3A_40 = arith.constant 32 : index
    %get3A_41 = tpu.vector_load %arg9[%get3A_40] {strides = array<i32>} : memref<520xi32, #tpu.memory_space<vmem>>, vector<16xi32>,
    %get3A_42 = vector.shape_cast %get3A_41 : vector<16xi32> to vector<16xi32>
    %get3A_43 = arith.constant 33 : index
    %get3A_44 = tpu.vector_load %arg9[%get3A_43] {strides = array<i32>} : memref<520xi32, #tpu.memory_space<vmem>>, vector<16xi32>,
    %get3A_45 = vector.shape_cast %get3A_44 : vector<16xi32> to vector<16xi32>
    %sub3A_46 = arith.subi %get3A_45, %get3A_42 : vector<16xi32>
    %swap3A_47 = arith.constant 32 : index
    %swap3A_48 = tpu.vector_load %arg10[%swap3A_47] {strides = array<i32>} : memref<512xi32, #tpu.memory_space<vmem>>, vector<16xi32>,
    %swap3A_49 = vector.shape_cast %swap3A_48 : vector<16xi32> to vector<16xi32>
    %swap3A_50 = vector.shape_cast %sub3A_46 : vector<16xi32> to vector<16xi32>
    tpu.vector_store %arg10[%swap3A_47], %swap3A_50 {strides = array<i32>} : memref<512xi32, #tpu.memory_space<vmem>>, vector<16xi32>,
    %get3A_51 = arith.constant 48 : index
    %get3A_52 = tpu.vector_load %arg9[%get3A_51] {strides = array<i32>} : memref<520xi32, #tpu.memory_space<vmem>>, vector<16xi32>,
    %get3A_53 = vector.shape_cast %get3A_52 : vector<16xi32> to vector<16xi32>
    %get3A_54 = arith.constant 49 : index
    %get3A_55 = tpu.vector_load %arg9[%get3A_54] {strides = array<i32>} : memref<520xi32, #tpu.memory_space<vmem>>, vector<16xi32>,
    %get3A_56 = vector.shape_cast %get3A_55 : vector<16xi32> to vector<16xi32>
    %sub3A_57 = arith.subi %get3A_56, %get3A_53 : vector<16xi32>
    %swap3A_58 = arith.constant 48 : index
    %swap3A_59 = tpu.vector_load %arg10[%swap3A_58] {strides = array<i32>} : memref<512xi32, #tpu.memory_space<vmem>>, vector<16xi32>,
    %swap3A_60 = vector.shape_cast %swap3A_59 : vector<16xi32> to vector<16xi32>
    %swap3A_61 = vector.shape_cast %sub3A_57 : vector<16xi32> to vector<16xi32>
    tpu.vector_store %arg10[%swap3A_58], %swap3A_61 {strides = array<i32>} : memref<512xi32, #tpu.memory_space<vmem>>, vector<16xi32>,
    %get3A_62 = arith.constant 64 : index
    %get3A_63 = tpu.vector_load %arg9[%get3A_62] {strides = array<i32>} : memref<520xi32, #tpu.memory_space<vmem>>, vector<16xi32>,
    %get3A_64 = vector.shape_cast %get3A_63 : vector<16xi32> to vector<16xi32>
    %get3A_65 = arith.constant 65 : index
    %get3A_66 = tpu.vector_load %arg9[%get3A_65] {strides = array<i32>} : memref<520xi32, #tpu.memory_space<vmem>>, vector<16xi32>,
    %get3A_67 = vector.shape_cast %get3A_66 : vector<16xi32> to vector<16xi32>
    %sub3A_68 = arith.subi %get3A_67, %get3A_64 : vector<16xi32>
    %swap3A_69 = arith.constant 64 : index
    %swap3A_70 = tpu.vector_load %arg10[%swap3A_69] {strides = array<i32>} : memref<512xi32, #tpu.memory_space<vmem>>, vector<16xi32>,
    %swap3A_71 = vector.shape_cast %swap3A_70 : vector<16xi32> to vector<16xi32>
    %swap3A_72 = vector.shape_cast %sub3A_68 : vector<16xi32> to vector<16xi32>
    tpu.vector_store %arg10[%swap3A_69], %swap3A_72 {strides = array<i32>} : memref<512xi32, #tpu.memory_space<vmem>>, vector<16xi32>,
    %get3A_73 = arith.constant 80 : index
    %get3A_74 = tpu.vector_load %arg9[%get3A_73] {strides = array<i32>} : memref<520xi32, #tpu.memory_space<vmem>>, vector<16xi32>,
    %get3A_75 = vector.shape_cast %get3A_74 : vector<16xi32> to vector<16xi32>
    %get3A_76 = arith.constant 81 : index
    %get3A_77 = tpu.vector_load %arg9[%get3A_76] {strides = array<i32>} : memref<520xi32, #tpu.memory_space<vmem>>, vector<16xi32>,
    %get3A_78 = vector.shape_cast %get3A_77 : vector<16xi32> to vector<16xi32>
    %sub3A_79 = arith.subi %get3A_78, %get3A_75 : vector<16xi32>
    %swap3A_80 = arith.constant 80 : index
    %swap3A_81 = tpu.vector_load %arg10[%swap3A_80] {strides = array<i32>} : memref<512xi32, #tpu.memory_space<vmem>>, vector<16xi32>,
    %swap3A_82 = vector.shape_cast %swap3A_81 : vector<16xi32> to vector<16xi32>
    %swap3A_83 = vector.shape_cast %sub3A_79 : vector<16xi32> to vector<16xi32>
    tpu.vector_store %arg10[%swap3A_80], %swap3A_83 {strides = array<i32>} : memref<512xi32, #tpu.memory_space<vmem>>, vector<16xi32>,
    %get3A_84 = arith.constant 96 : index
    %get3A_85 = tpu.vector_load %arg9[%get3A_84] {strides = array<i32>} : memref<520xi32, #tpu.memory_space<vmem>>, vector<16xi32>,
    %get3A_86 = vector.shape_cast %get3A_85 : vector<16xi32> to vector<16xi32>
    %get3A_87 = arith.constant 97 : index
    %get3A_88 = tpu.vector_load %arg9[%get3A_87] {strides = array<i32>} : memref<520xi32, #tpu.memory_space<vmem>>, vector<16xi32>,
    %get3A_89 = vector.shape_cast %get3A_88 : vector<16xi32> to vector<16xi32>
    %sub3A_90 = arith.subi %get3A_89, %get3A_86 : vector<16xi32>
    %swap3A_91 = arith.constant 96 : index
    %swap3A_92 = tpu.vector_load %arg10[%swap3A_91] {strides = array<i32>} : memref<512xi32, #tpu.memory_space<vmem>>, vector<16xi32>,
    %swap3A_93 = vector.shape_cast %swap3A_92 : vector<16xi32> to vector<16xi32>
    %swap3A_94 = vector.shape_cast %sub3A_90 : vector<16xi32> to vector<16xi32>
    tpu.vector_store %arg10[%swap3A_91], %swap3A_94 {strides = array<i32>} : memref<512xi32, #tpu.memory_space<vmem>>, vector<16xi32>,
    %get3A_95 = arith.constant 112 : index
    %get3A_96 = tpu.vector_load %arg9[%get3A_95] {strides = array<i32>} : memref<520xi32, #tpu.memory_space<vmem>>, vector<16xi32>,
    %get3A_97 = vector.shape_cast %get3A_96 : vector<16xi32> to vector<16xi32>
    %get3A_98 = arith.constant 113 : index
    %get3A_99 = tpu.vector_load %arg9[%get3A_98] {strides = array<i32>} : memref<520xi32, #tpu.memory_space<vmem>>, vector<16xi32>,
    %get3A_100 = vector.shape_cast %get3A_99 : vector<16xi32> to vector<16xi32>
    %sub3A_101 = arith.subi %get3A_100, %get3A_97 : vector<16xi32>
    %swap3A_102 = arith.constant 112 : index
    %swap3A_103 = tpu.vector_load %arg10[%swap3A_102] {strides = array<i32>} : memref<512xi32, #tpu.memory_space<vmem>>, vector<16xi32>,
    %swap3A_104 = vector.shape_cast %swap3A_103 : vector<16xi32> to vector<16xi32>
    %swap3A_105 = vector.shape_cast %sub3A_101 : vector<16xi32> to vector<16xi32>
    tpu.vector_store %arg10[%swap3A_102], %swap3A_105 {strides = array<i32>} : memref<512xi32, #tpu.memory_space<vmem>>, vector<16xi32>,
    %get3A_106 = arith.constant 128 : index
    %get3A_107 = tpu.vector_load %arg9[%get3A_106] {strides = array<i32>} : memref<520xi32, #tpu.memory_space<vmem>>, vector<16xi32>,
    %get3A_108 = vector.shape_cast %get3A_107 : vector<16xi32> to vector<16xi32>
    %get3A_109 = arith.constant 129 : index
    %get3A_110 = tpu.vector_load %arg9[%get3A_109] {strides = array<i32>} : memref<520xi32, #tpu.memory_space<vmem>>, vector<16xi32>,
    %get3A_111 = vector.shape_cast %get3A_110 : vector<16xi32> to vector<16xi32>
    %sub3A_112 = arith.subi %get3A_111, %get3A_108 : vector<16xi32>
    %swap3A_113 = arith.constant 128 : index
    %swap3A_114 = tpu.vector_load %arg10[%swap3A_113] {strides = array<i32>} : memref<512xi32, #tpu.memory_space<vmem>>, vector<16xi32>,
    %swap3A_115 = vector.shape_cast %swap3A_114 : vector<16xi32> to vector<16xi32>
    %swap3A_116 = vector.shape_cast %sub3A_112 : vector<16xi32> to vector<16xi32>
    tpu.vector_store %arg10[%swap3A_113], %swap3A_116 {strides = array<i32>} : memref<512xi32, #tpu.memory_space<vmem>>, vector<16xi32>,
    %get3A_117 = arith.constant 144 : index
    %get3A_118 = tpu.vector_load %arg9[%get3A_117] {strides = array<i32>} : memref<520xi32, #tpu.memory_space<vmem>>, vector<16xi32>,
    %get3A_119 = vector.shape_cast %get3A_118 : vector<16xi32> to vector<16xi32>
    %get3A_120 = arith.constant 145 : index
    %get3A_121 = tpu.vector_load %arg9[%get3A_120] {strides = array<i32>} : memref<520xi32, #tpu.memory_space<vmem>>, vector<16xi32>,
    %get3A_122 = vector.shape_cast %get3A_121 : vector<16xi32> to vector<16xi32>
    %sub3A_123 = arith.subi %get3A_122, %get3A_119 : vector<16xi32>
    %swap3A_124 = arith.constant 144 : index
    %swap3A_125 = tpu.vector_load %arg10[%swap3A_124] {strides = array<i32>} : memref<512xi32, #tpu.memory_space<vmem>>, vector<16xi32>,
    %swap3A_126 = vector.shape_cast %swap3A_125 : vector<16xi32> to vector<16xi32>
    %swap3A_127 = vector.shape_cast %sub3A_123 : vector<16xi32> to vector<16xi32>
    tpu.vector_store %arg10[%swap3A_124], %swap3A_127 {strides = array<i32>} : memref<512xi32, #tpu.memory_space<vmem>>, vector<16xi32>,
    %get3A_128 = arith.constant 160 : index
    %get3A_129 = tpu.vector_load %arg9[%get3A_128] {strides = array<i32>} : memref<520xi32, #tpu.memory_space<vmem>>, vector<16xi32>,
    %get3A_130 = vector.shape_cast %get3A_129 : vector<16xi32> to vector<16xi32>
    %get3A_131 = arith.constant 161 : index
    %get3A_132 = tpu.vector_load %arg9[%get3A_131] {strides = array<i32>} : memref<520xi32, #tpu.memory_space<vmem>>, vector<16xi32>,
    %get3A_133 = vector.shape_cast %get3A_132 : vector<16xi32> to vector<16xi32>
    %sub3A_134 = arith.subi %get3A_133, %get3A_130 : vector<16xi32>
    %swap3A_135 = arith.constant 160 : index
    %swap3A_136 = tpu.vector_load %arg10[%swap3A_135] {strides = array<i32>} : memref<512xi32, #tpu.memory_space<vmem>>, vector<16xi32>,
    %swap3A_137 = vector.shape_cast %swap3A_136 : vector<16xi32> to vector<16xi32>
    %swap3A_138 = vector.shape_cast %sub3A_134 : vector<16xi32> to vector<16xi32>
    tpu.vector_store %arg10[%swap3A_135], %swap3A_138 {strides = array<i32>} : memref<512xi32, #tpu.memory_space<vmem>>, vector<16xi32>,
    %get3A_139 = arith.constant 176 : index
    %get3A_140 = tpu.vector_load %arg9[%get3A_139] {strides = array<i32>} : memref<520xi32, #tpu.memory_space<vmem>>, vector<16xi32>,
    %get3A_141 = vector.shape_cast %get3A_140 : vector<16xi32> to vector<16xi32>
    %get3A_142 = arith.constant 177 : index
    %get3A_143 = tpu.vector_load %arg9[%get3A_142] {strides = array<i32>} : memref<520xi32, #tpu.memory_space<vmem>>, vector<16xi32>,
    %get3A_144 = vector.shape_cast %get3A_143 : vector<16xi32> to vector<16xi32>
    %sub3A_145 = arith.subi %get3A_144, %get3A_141 : vector<16xi32>
    %swap3A_146 = arith.constant 176 : index
    %swap3A_147 = tpu.vector_load %arg10[%swap3A_146] {strides = array<i32>} : memref<512xi32, #tpu.memory_space<vmem>>, vector<16xi32>,
    %swap3A_148 = vector.shape_cast %swap3A_147 : vector<16xi32> to vector<16xi32>
    %swap3A_149 = vector.shape_cast %sub3A_145 : vector<16xi32> to vector<16xi32>
    tpu.vector_store %arg10[%swap3A_146], %swap3A_149 {strides = array<i32>} : memref<512xi32, #tpu.memory_space<vmem>>, vector<16xi32>,
    %get3A_150 = arith.constant 192 : index
    %get3A_151 = tpu.vector_load %arg9[%get3A_150] {strides = array<i32>} : memref<520xi32, #tpu.memory_space<vmem>>, vector<16xi32>,
    %get3A_152 = vector.shape_cast %get3A_151 : vector<16xi32> to vector<16xi32>
    %get3A_153 = arith.constant 193 : index
    %get3A_154 = tpu.vector_load %arg9[%get3A_153] {strides = array<i32>} : memref<520xi32, #tpu.memory_space<vmem>>, vector<16xi32>,
    %get3A_155 = vector.shape_cast %get3A_154 : vector<16xi32> to vector<16xi32>
    %sub3A_156 = arith.subi %get3A_155, %get3A_152 : vector<16xi32>
    %swap3A_157 = arith.constant 192 : index
    %swap3A_158 = tpu.vector_load %arg10[%swap3A_157] {strides = array<i32>} : memref<512xi32, #tpu.memory_space<vmem>>, vector<16xi32>,
    %swap3A_159 = vector.shape_cast %swap3A_158 : vector<16xi32> to vector<16xi32>
    %swap3A_160 = vector.shape_cast %sub3A_156 : vector<16xi32> to vector<16xi32>
    tpu.vector_store %arg10[%swap3A_157], %swap3A_160 {strides = array<i32>} : memref<512xi32, #tpu.memory_space<vmem>>, vector<16xi32>,
    %get3A_161 = arith.constant 208 : index
    %get3A_162 = tpu.vector_load %arg9[%get3A_161] {strides = array<i32>} : memref<520xi32, #tpu.memory_space<vmem>>, vector<16xi32>,
    %get3A_163 = vector.shape_cast %get3A_162 : vector<16xi32> to vector<16xi32>
    %get3A_164 = arith.constant 209 : index
    %get3A_165 = tpu.vector_load %arg9[%get3A_164] {strides = array<i32>} : memref<520xi32, #tpu.memory_space<vmem>>, vector<16xi32>,
    %get3A_166 = vector.shape_cast %get3A_165 : vector<16xi32> to vector<16xi32>
    %sub3A_167 = arith.subi %get3A_166, %get3A_163 : vector<16xi32>
    %swap3A_168 = arith.constant 208 : index
    %swap3A_169 = tpu.vector_load %arg10[%swap3A_168] {strides = array<i32>} : memref<512xi32, #tpu.memory_space<vmem>>, vector<16xi32>,
    %swap3A_170 = vector.shape_cast %swap3A_169 : vector<16xi32> to vector<16xi32>
    %swap3A_171 = vector.shape_cast %sub3A_167 : vector<16xi32> to vector<16xi32>
    tpu.vector_store %arg10[%swap3A_168], %swap3A_171 {strides = array<i32>} : memref<512xi32, #tpu.memory_space<vmem>>, vector<16xi32>,
    %get3A_172 = arith.constant 224 : index
    %get3A_173 = tpu.vector_load %arg9[%get3A_172] {strides = array<i32>} : memref<520xi32, #tpu.memory_space<vmem>>, vector<16xi32>,
    %get3A_174 = vector.shape_cast %get3A_173 : vector<16xi32> to vector<16xi32>
    %get3A_175 = arith.constant 225 : index
    %get3A_176 = tpu.vector_load %arg9[%get3A_175] {strides = array<i32>} : memref<520xi32, #tpu.memory_space<vmem>>, vector<16xi32>,
    %get3A_177 = vector.shape_cast %get3A_176 : vector<16xi32> to vector<16xi32>
    %sub3A_178 = arith.subi %get3A_177, %get3A_174 : vector<16xi32>
    %swap3A_179 = arith.constant 224 : index
    %swap3A_180 = tpu.vector_load %arg10[%swap3A_179] {strides = array<i32>} : memref<512xi32, #tpu.memory_space<vmem>>, vector<16xi32>,
    %swap3A_181 = vector.shape_cast %swap3A_180 : vector<16xi32> to vector<16xi32>
    %swap3A_182 = vector.shape_cast %sub3A_178 : vector<16xi32> to vector<16xi32>
    tpu.vector_store %arg10[%swap3A_179], %swap3A_182 {strides = array<i32>} : memref<512xi32, #tpu.memory_space<vmem>>, vector<16xi32>,
    %get3A_183 = arith.constant 240 : index
    %get3A_184 = tpu.vector_load %arg9[%get3A_183] {strides = array<i32>} : memref<520xi32, #tpu.memory_space<vmem>>, vector<16xi32>,
    %get3A_185 = vector.shape_cast %get3A_184 : vector<16xi32> to vector<16xi32>
    %get3A_186 = arith.constant 241 : index
    %get3A_187 = tpu.vector_load %arg9[%get3A_186] {strides = array<i32>} : memref<520xi32, #tpu.memory_space<vmem>>, vector<16xi32>,
    %get3A_188 = vector.shape_cast %get3A_187 : vector<16xi32> to vector<16xi32>
    %sub3A_189 = arith.subi %get3A_188, %get3A_185 : vector<16xi32>
    %swap3A_190 = arith.constant 240 : index
    %swap3A_191 = tpu.vector_load %arg10[%swap3A_190] {strides = array<i32>} : memref<512xi32, #tpu.memory_space<vmem>>, vector<16xi32>,
    %swap3A_192 = vector.shape_cast %swap3A_191 : vector<16xi32> to vector<16xi32>
    %swap3A_193 = vector.shape_cast %sub3A_189 : vector<16xi32> to vector<16xi32>
    tpu.vector_store %arg10[%swap3A_190], %swap3A_193 {strides = array<i32>} : memref<512xi32, #tpu.memory_space<vmem>>, vector<16xi32>,
    %get3A_194 = arith.constant 256 : index
    %get3A_195 = tpu.vector_load %arg9[%get3A_194] {strides = array<i32>} : memref<520xi32, #tpu.memory_space<vmem>>, vector<16xi32>,
    %get3A_196 = vector.shape_cast %get3A_195 : vector<16xi32> to vector<16xi32>
    %get3A_197 = arith.constant 257 : index
    %get3A_198 = tpu.vector_load %arg9[%get3A_197] {strides = array<i32>} : memref<520xi32, #tpu.memory_space<vmem>>, vector<16xi32>,
    %get3A_199 = vector.shape_cast %get3A_198 : vector<16xi32> to vector<16xi32>
    %sub3A_200 = arith.subi %get3A_199, %get3A_196 : vector<16xi32>
    %swap3A_201 = arith.constant 256 : index
    %swap3A_202 = tpu.vector_load %arg10[%swap3A_201] {strides = array<i32>} : memref<512xi32, #tpu.memory_space<vmem>>, vector<16xi32>,
    %swap3A_203 = vector.shape_cast %swap3A_202 : vector<16xi32> to vector<16xi32>
    %swap3A_204 = vector.shape_cast %sub3A_200 : vector<16xi32> to vector<16xi32>
    tpu.vector_store %arg10[%swap3A_201], %swap3A_204 {strides = array<i32>} : memref<512xi32, #tpu.memory_space<vmem>>, vector<16xi32>,
    %get3A_205 = arith.constant 272 : index
    %get3A_206 = tpu.vector_load %arg9[%get3A_205] {strides = array<i32>} : memref<520xi32, #tpu.memory_space<vmem>>, vector<16xi32>,
    %get3A_207 = vector.shape_cast %get3A_206 : vector<16xi32> to vector<16xi32>
    %get3A_208 = arith.constant 273 : index
    %get3A_209 = tpu.vector_load %arg9[%get3A_208] {strides = array<i32>} : memref<520xi32, #tpu.memory_space<vmem>>, vector<16xi32>,
    %get3A_210 = vector.shape_cast %get3A_209 : vector<16xi32> to vector<16xi32>
    %sub3A_211 = arith.subi %get3A_210, %get3A_207 : vector<16xi32>
    %swap3A_212 = arith.constant 272 : index
    %swap3A_213 = tpu.vector_load %arg10[%swap3A_212] {strides = array<i32>} : memref<512xi32, #tpu.memory_space<vmem>>, vector<16xi32>,
    %swap3A_214 = vector.shape_cast %swap3A_213 : vector<16xi32> to vector<16xi32>
    %swap3A_215 = vector.shape_cast %sub3A_211 : vector<16xi32> to vector<16xi32>
    tpu.vector_store %arg10[%swap3A_212], %swap3A_215 {strides = array<i32>} : memref<512xi32, #tpu.memory_space<vmem>>, vector<16xi32>,
    %get3A_216 = arith.constant 288 : index
    %get3A_217 = tpu.vector_load %arg9[%get3A_216] {strides = array<i32>} : memref<520xi32, #tpu.memory_space<vmem>>, vector<16xi32>,
    %get3A_218 = vector.shape_cast %get3A_217 : vector<16xi32> to vector<16xi32>
    %get3A_219 = arith.constant 289 : index
    %get3A_220 = tpu.vector_load %arg9[%get3A_219] {strides = array<i32>} : memref<520xi32, #tpu.memory_space<vmem>>, vector<16xi32>,
    %get3A_221 = vector.shape_cast %get3A_220 : vector<16xi32> to vector<16xi32>
    %sub3A_222 = arith.subi %get3A_221, %get3A_218 : vector<16xi32>
    %swap3A_223 = arith.constant 288 : index
    %swap3A_224 = tpu.vector_load %arg10[%swap3A_223] {strides = array<i32>} : memref<512xi32, #tpu.memory_space<vmem>>, vector<16xi32>,
    %swap3A_225 = vector.shape_cast %swap3A_224 : vector<16xi32> to vector<16xi32>
    %swap3A_226 = vector.shape_cast %sub3A_222 : vector<16xi32> to vector<16xi32>
    tpu.vector_store %arg10[%swap3A_223], %swap3A_226 {strides = array<i32>} : memref<512xi32, #tpu.memory_space<vmem>>, vector<16xi32>,
    %get3A_227 = arith.constant 304 : index
    %get3A_228 = tpu.vector_load %arg9[%get3A_227] {strides = array<i32>} : memref<520xi32, #tpu.memory_space<vmem>>, vector<16xi32>,
    %get3A_229 = vector.shape_cast %get3A_228 : vector<16xi32> to vector<16xi32>
    %get3A_230 = arith.constant 305 : index
    %get3A_231 = tpu.vector_load %arg9[%get3A_230] {strides = array<i32>} : memref<520xi32, #tpu.memory_space<vmem>>, vector<16xi32>,
    %get3A_232 = vector.shape_cast %get3A_231 : vector<16xi32> to vector<16xi32>
    %sub3A_233 = arith.subi %get3A_232, %get3A_229 : vector<16xi32>
    %swap3A_234 = arith.constant 304 : index
    %swap3A_235 = tpu.vector_load %arg10[%swap3A_234] {strides = array<i32>} : memref<512xi32, #tpu.memory_space<vmem>>, vector<16xi32>,
    %swap3A_236 = vector.shape_cast %swap3A_235 : vector<16xi32> to vector<16xi32>
    %swap3A_237 = vector.shape_cast %sub3A_233 : vector<16xi32> to vector<16xi32>
    tpu.vector_store %arg10[%swap3A_234], %swap3A_237 {strides = array<i32>} : memref<512xi32, #tpu.memory_space<vmem>>, vector<16xi32>,
    %get3A_238 = arith.constant 320 : index
    %get3A_239 = tpu.vector_load %arg9[%get3A_238] {strides = array<i32>} : memref<520xi32, #tpu.memory_space<vmem>>, vector<16xi32>,
    %get3A_240 = vector.shape_cast %get3A_239 : vector<16xi32> to vector<16xi32>
    %get3A_241 = arith.constant 321 : index
    %get3A_242 = tpu.vector_load %arg9[%get3A_241] {strides = array<i32>} : memref<520xi32, #tpu.memory_space<vmem>>, vector<16xi32>,
    %get3A_243 = vector.shape_cast %get3A_242 : vector<16xi32> to vector<16xi32>
    %sub3A_244 = arith.subi %get3A_243, %get3A_240 : vector<16xi32>
    %swap3A_245 = arith.constant 320 : index
    %swap3A_246 = tpu.vector_load %arg10[%swap3A_245] {strides = array<i32>} : memref<512xi32, #tpu.memory_space<vmem>>, vector<16xi32>,
    %swap3A_247 = vector.shape_cast %swap3A_246 : vector<16xi32> to vector<16xi32>
    %swap3A_248 = vector.shape_cast %sub3A_244 : vector<16xi32> to vector<16xi32>
    tpu.vector_store %arg10[%swap3A_245], %swap3A_248 {strides = array<i32>} : memref<512xi32, #tpu.memory_space<vmem>>, vector<16xi32>,
    %get3A_249 = arith.constant 336 : index
    %get3A_250 = tpu.vector_load %arg9[%get3A_249] {strides = array<i32>} : memref<520xi32, #tpu.memory_space<vmem>>, vector<16xi32>,
    %get3A_251 = vector.shape_cast %get3A_250 : vector<16xi32> to vector<16xi32>
    %get3A_252 = arith.constant 337 : index
    %get3A_253 = tpu.vector_load %arg9[%get3A_252] {strides = array<i32>} : memref<520xi32, #tpu.memory_space<vmem>>, vector<16xi32>,
    %get3A_254 = vector.shape_cast %get3A_253 : vector<16xi32> to vector<16xi32>
    %sub3A_255 = arith.subi %get3A_254, %get3A_251 : vector<16xi32>
    %swap3A_256 = arith.constant 336 : index
    %swap3A_257 = tpu.vector_load %arg10[%swap3A_256] {strides = array<i32>} : memref<512xi32, #tpu.memory_space<vmem>>, vector<16xi32>,
    %swap3A_258 = vector.shape_cast %swap3A_257 : vector<16xi32> to vector<16xi32>
    %swap3A_259 = vector.shape_cast %sub3A_255 : vector<16xi32> to vector<16xi32>
    tpu.vector_store %arg10[%swap3A_256], %swap3A_259 {strides = array<i32>} : memref<512xi32, #tpu.memory_space<vmem>>, vector<16xi32>,
    %get3A_260 = arith.constant 352 : index
    %get3A_261 = tpu.vector_load %arg9[%get3A_260] {strides = array<i32>} : memref<520xi32, #tpu.memory_space<vmem>>, vector<16xi32>,
    %get3A_262 = vector.shape_cast %get3A_261 : vector<16xi32> to vector<16xi32>
    %get3A_263 = arith.constant 353 : index
    %get3A_264 = tpu.vector_load %arg9[%get3A_263] {strides = array<i32>} : memref<520xi32, #tpu.memory_space<vmem>>, vector<16xi32>,
    %get3A_265 = vector.shape_cast %get3A_264 : vector<16xi32> to vector<16xi32>
    %sub3A_266 = arith.subi %get3A_265, %get3A_262 : vector<16xi32>
    %swap3A_267 = arith.constant 352 : index
    %swap3A_268 = tpu.vector_load %arg10[%swap3A_267] {strides = array<i32>} : memref<512xi32, #tpu.memory_space<vmem>>, vector<16xi32>,
    %swap3A_269 = vector.shape_cast %swap3A_268 : vector<16xi32> to vector<16xi32>
    %swap3A_270 = vector.shape_cast %sub3A_266 : vector<16xi32> to vector<16xi32>
    tpu.vector_store %arg10[%swap3A_267], %swap3A_270 {strides = array<i32>} : memref<512xi32, #tpu.memory_space<vmem>>, vector<16xi32>,
    %get3A_271 = arith.constant 368 : index
    %get3A_272 = tpu.vector_load %arg9[%get3A_271] {strides = array<i32>} : memref<520xi32, #tpu.memory_space<vmem>>, vector<16xi32>,
    %get3A_273 = vector.shape_cast %get3A_272 : vector<16xi32> to vector<16xi32>
    %get3A_274 = arith.constant 369 : index
    %get3A_275 = tpu.vector_load %arg9[%get3A_274] {strides = array<i32>} : memref<520xi32, #tpu.memory_space<vmem>>, vector<16xi32>,
    %get3A_276 = vector.shape_cast %get3A_275 : vector<16xi32> to vector<16xi32>
    %sub3A_277 = arith.subi %get3A_276, %get3A_273 : vector<16xi32>
    %swap3A_278 = arith.constant 368 : index
    %swap3A_279 = tpu.vector_load %arg10[%swap3A_278] {strides = array<i32>} : memref<512xi32, #tpu.memory_space<vmem>>, vector<16xi32>,
    %swap3A_280 = vector.shape_cast %swap3A_279 : vector<16xi32> to vector<16xi32>
    %swap3A_281 = vector.shape_cast %sub3A_277 : vector<16xi32> to vector<16xi32>
    tpu.vector_store %arg10[%swap3A_278], %swap3A_281 {strides = array<i32>} : memref<512xi32, #tpu.memory_space<vmem>>, vector<16xi32>,
    %get3A_282 = arith.constant 384 : index
    %get3A_283 = tpu.vector_load %arg9[%get3A_282] {strides = array<i32>} : memref<520xi32, #tpu.memory_space<vmem>>, vector<16xi32>,
    %get3A_284 = vector.shape_cast %get3A_283 : vector<16xi32> to vector<16xi32>
    %get3A_285 = arith.constant 385 : index
    %get3A_286 = tpu.vector_load %arg9[%get3A_285] {strides = array<i32>} : memref<520xi32, #tpu.memory_space<vmem>>, vector<16xi32>,
    %get3A_287 = vector.shape_cast %get3A_286 : vector<16xi32> to vector<16xi32>
    %sub3A_288 = arith.subi %get3A_287, %get3A_284 : vector<16xi32>
    %swap3A_289 = arith.constant 384 : index
    %swap3A_290 = tpu.vector_load %arg10[%swap3A_289] {strides = array<i32>} : memref<512xi32, #tpu.memory_space<vmem>>, vector<16xi32>,
    %swap3A_291 = vector.shape_cast %swap3A_290 : vector<16xi32> to vector<16xi32>
    %swap3A_292 = vector.shape_cast %sub3A_288 : vector<16xi32> to vector<16xi32>
    tpu.vector_store %arg10[%swap3A_289], %swap3A_292 {strides = array<i32>} : memref<512xi32, #tpu.memory_space<vmem>>, vector<16xi32>,
    %get3A_293 = arith.constant 400 : index
    %get3A_294 = tpu.vector_load %arg9[%get3A_293] {strides = array<i32>} : memref<520xi32, #tpu.memory_space<vmem>>, vector<16xi32>,
    %get3A_295 = vector.shape_cast %get3A_294 : vector<16xi32> to vector<16xi32>
    %get3A_296 = arith.constant 401 : index
    %get3A_297 = tpu.vector_load %arg9[%get3A_296] {strides = array<i32>} : memref<520xi32, #tpu.memory_space<vmem>>, vector<16xi32>,
    %get3A_298 = vector.shape_cast %get3A_297 : vector<16xi32> to vector<16xi32>
    %sub3A_299 = arith.subi %get3A_298, %get3A_295 : vector<16xi32>
    %swap3A_300 = arith.constant 400 : index
    %swap3A_301 = tpu.vector_load %arg10[%swap3A_300] {strides = array<i32>} : memref<512xi32, #tpu.memory_space<vmem>>, vector<16xi32>,
    %swap3A_302 = vector.shape_cast %swap3A_301 : vector<16xi32> to vector<16xi32>
    %swap3A_303 = vector.shape_cast %sub3A_299 : vector<16xi32> to vector<16xi32>
    tpu.vector_store %arg10[%swap3A_300], %swap3A_303 {strides = array<i32>} : memref<512xi32, #tpu.memory_space<vmem>>, vector<16xi32>,
    %get3A_304 = arith.constant 416 : index
    %get3A_305 = tpu.vector_load %arg9[%get3A_304] {strides = array<i32>} : memref<520xi32, #tpu.memory_space<vmem>>, vector<16xi32>,
    %get3A_306 = vector.shape_cast %get3A_305 : vector<16xi32> to vector<16xi32>
    %get3A_307 = arith.constant 417 : index
    %get3A_308 = tpu.vector_load %arg9[%get3A_307] {strides = array<i32>} : memref<520xi32, #tpu.memory_space<vmem>>, vector<16xi32>,
    %get3A_309 = vector.shape_cast %get3A_308 : vector<16xi32> to vector<16xi32>
    %sub3A_310 = arith.subi %get3A_309, %get3A_306 : vector<16xi32>
    %swap3A_311 = arith.constant 416 : index
    %swap3A_312 = tpu.vector_load %arg10[%swap3A_311] {strides = array<i32>} : memref<512xi32, #tpu.memory_space<vmem>>, vector<16xi32>,
    %swap3A_313 = vector.shape_cast %swap3A_312 : vector<16xi32> to vector<16xi32>
    %swap3A_314 = vector.shape_cast %sub3A_310 : vector<16xi32> to vector<16xi32>
    tpu.vector_store %arg10[%swap3A_311], %swap3A_314 {strides = array<i32>} : memref<512xi32, #tpu.memory_space<vmem>>, vector<16xi32>,
    %get3A_315 = arith.constant 432 : index
    %get3A_316 = tpu.vector_load %arg9[%get3A_315] {strides = array<i32>} : memref<520xi32, #tpu.memory_space<vmem>>, vector<16xi32>,
    %get3A_317 = vector.shape_cast %get3A_316 : vector<16xi32> to vector<16xi32>
    %get3A_318 = arith.constant 433 : index
    %get3A_319 = tpu.vector_load %arg9[%get3A_318] {strides = array<i32>} : memref<520xi32, #tpu.memory_space<vmem>>, vector<16xi32>,
    %get3A_320 = vector.shape_cast %get3A_319 : vector<16xi32> to vector<16xi32>
    %sub3A_321 = arith.subi %get3A_320, %get3A_317 : vector<16xi32>
    %swap3A_322 = arith.constant 432 : index
    %swap3A_323 = tpu.vector_load %arg10[%swap3A_322] {strides = array<i32>} : memref<512xi32, #tpu.memory_space<vmem>>, vector<16xi32>,
    %swap3A_324 = vector.shape_cast %swap3A_323 : vector<16xi32> to vector<16xi32>
    %swap3A_325 = vector.shape_cast %sub3A_321 : vector<16xi32> to vector<16xi32>
    tpu.vector_store %arg10[%swap3A_322], %swap3A_325 {strides = array<i32>} : memref<512xi32, #tpu.memory_space<vmem>>, vector<16xi32>,
    %get3A_326 = arith.constant 448 : index
    %get3A_327 = tpu.vector_load %arg9[%get3A_326] {strides = array<i32>} : memref<520xi32, #tpu.memory_space<vmem>>, vector<16xi32>,
    %get3A_328 = vector.shape_cast %get3A_327 : vector<16xi32> to vector<16xi32>
    %get3A_329 = arith.constant 449 : index
    %get3A_330 = tpu.vector_load %arg9[%get3A_329] {strides = array<i32>} : memref<520xi32, #tpu.memory_space<vmem>>, vector<16xi32>,
    %get3A_331 = vector.shape_cast %get3A_330 : vector<16xi32> to vector<16xi32>
    %sub3A_332 = arith.subi %get3A_331, %get3A_328 : vector<16xi32>
    %swap3A_333 = arith.constant 448 : index
    %swap3A_334 = tpu.vector_load %arg10[%swap3A_333] {strides = array<i32>} : memref<512xi32, #tpu.memory_space<vmem>>, vector<16xi32>,
    %swap3A_335 = vector.shape_cast %swap3A_334 : vector<16xi32> to vector<16xi32>
    %swap3A_336 = vector.shape_cast %sub3A_332 : vector<16xi32> to vector<16xi32>
    tpu.vector_store %arg10[%swap3A_333], %swap3A_336 {strides = array<i32>} : memref<512xi32, #tpu.memory_space<vmem>>, vector<16xi32>,
    %get3A_337 = arith.constant 464 : index
    %get3A_338 = tpu.vector_load %arg9[%get3A_337] {strides = array<i32>} : memref<520xi32, #tpu.memory_space<vmem>>, vector<16xi32>,
    %get3A_339 = vector.shape_cast %get3A_338 : vector<16xi32> to vector<16xi32>
    %get3A_340 = arith.constant 465 : index
    %get3A_341 = tpu.vector_load %arg9[%get3A_340] {strides = array<i32>} : memref<520xi32, #tpu.memory_space<vmem>>, vector<16xi32>,
    %get3A_342 = vector.shape_cast %get3A_341 : vector<16xi32> to vector<16xi32>
    %sub3A_343 = arith.subi %get3A_342, %get3A_339 : vector<16xi32>
    %swap3A_344 = arith.constant 464 : index
    %swap3A_345 = tpu.vector_load %arg10[%swap3A_344] {strides = array<i32>} : memref<512xi32, #tpu.memory_space<vmem>>, vector<16xi32>,
    %swap3A_346 = vector.shape_cast %swap3A_345 : vector<16xi32> to vector<16xi32>
    %swap3A_347 = vector.shape_cast %sub3A_343 : vector<16xi32> to vector<16xi32>
    tpu.vector_store %arg10[%swap3A_344], %swap3A_347 {strides = array<i32>} : memref<512xi32, #tpu.memory_space<vmem>>, vector<16xi32>,
    %get3A_348 = arith.constant 480 : index
    %get3A_349 = tpu.vector_load %arg9[%get3A_348] {strides = array<i32>} : memref<520xi32, #tpu.memory_space<vmem>>, vector<16xi32>,
    %get3A_350 = vector.shape_cast %get3A_349 : vector<16xi32> to vector<16xi32>
    %get3A_351 = arith.constant 481 : index
    %get3A_352 = tpu.vector_load %arg9[%get3A_351] {strides = array<i32>} : memref<520xi32, #tpu.memory_space<vmem>>, vector<16xi32>,
    %get3A_353 = vector.shape_cast %get3A_352 : vector<16xi32> to vector<16xi32>
    %sub3A_354 = arith.subi %get3A_353, %get3A_350 : vector<16xi32>
    %swap3A_355 = arith.constant 480 : index
    %swap3A_356 = tpu.vector_load %arg10[%swap3A_355] {strides = array<i32>} : memref<512xi32, #tpu.memory_space<vmem>>, vector<16xi32>,
    %swap3A_357 = vector.shape_cast %swap3A_356 : vector<16xi32> to vector<16xi32>
    %swap3A_358 = vector.shape_cast %sub3A_354 : vector<16xi32> to vector<16xi32>
    tpu.vector_store %arg10[%swap3A_355], %swap3A_358 {strides = array<i32>} : memref<512xi32, #tpu.memory_space<vmem>>, vector<16xi32>,
    %get3A_359 = arith.constant 496 : index
    %get3A_360 = tpu.vector_load %arg9[%get3A_359] {strides = array<i32>} : memref<520xi32, #tpu.memory_space<vmem>>, vector<16xi32>,
    %get3A_361 = vector.shape_cast %get3A_360 : vector<16xi32> to vector<16xi32>
    %get3A_362 = arith.constant 497 : index
    %get3A_363 = tpu.vector_load %arg9[%get3A_362] {strides = array<i32>} : memref<520xi32, #tpu.memory_space<vmem>>, vector<16xi32>,
    %get3A_364 = vector.shape_cast %get3A_363 : vector<16xi32> to vector<16xi32>
    %sub3A_365 = arith.subi %get3A_364, %get3A_361 : vector<16xi32>
    %swap3A_366 = arith.constant 496 : index
    %swap3A_367 = tpu.vector_load %arg10[%swap3A_366] {strides = array<i32>} : memref<512xi32, #tpu.memory_space<vmem>>, vector<16xi32>,
    %swap3A_368 = vector.shape_cast %swap3A_367 : vector<16xi32> to vector<16xi32>
    %swap3A_369 = vector.shape_cast %sub3A_365 : vector<16xi32> to vector<16xi32>
    tpu.vector_store %arg10[%swap3A_366], %swap3A_369 {strides = array<i32>} : memref<512xi32, #tpu.memory_space<vmem>>, vector<16xi32>,
    "tpu.region"() ({
      %run_scoped3A_852 = tpu.sem_alloc : memref<!tpu.dma_semaphore, #tpu.memory_space<semaphore_mem>>
      %dma_start3A_853 = arith.constant 0 : i32
      %dma_start3A_854 = tpu.memref_slice %arg6[%add3A, %dma_start3A_853] : memref<32x512xi32, #tpu.memory_space<hbm>> -> memref<1x512xi32, #tpu.memory_space<hbm>>
      %dma_start3A_855 = tpu.memref_squeeze %dma_start3A_854 : memref<1x512xi32, #tpu.memory_space<hbm>> -> memref<512xi32, #tpu.memory_space<hbm>>
      %dma_start3A_856 = arith.constant 0 : i32
      %dma_start3A_857 = tpu.memref_slice %arg6[%add3A, %dma_start3A_856] : memref<32x512xi32, #tpu.memory_space<hbm>> -> memref<1x512xi32, #tpu.memory_space<hbm>>
      %dma_start3A_858 = tpu.memref_squeeze %dma_start3A_857 : memref<1x512xi32, #tpu.memory_space<hbm>> -> memref<512xi32, #tpu.memory_space<hbm>>
      tpu.enqueue_dma source(%arg10 : memref<512xi32, #tpu.memory_space<vmem>>) target(%dma_start3A_858 : memref<512xi32, #tpu.memory_space<hbm>>) target_semaphore(%run_scoped3A_852 : memref<!tpu.dma_semaphore, #tpu.memory_space<semaphore_mem>>)
      %dma_wait3A_859 = arith.constant 0 : i32
      %dma_wait3A_860 = tpu.memref_slice %arg6[%add3A, %dma_wait3A_859] : memref<32x512xi32, #tpu.memory_space<hbm>> -> memref<1x512xi32, #tpu.memory_space<hbm>>
      %dma_wait3A_861 = tpu.memref_squeeze %dma_wait3A_860 : memref<1x512xi32, #tpu.memory_space<hbm>> -> memref<512xi32, #tpu.memory_space<hbm>>
      %dma_wait3A_862 = arith.constant 0 : i32
      %dma_wait3A_863 = tpu.memref_slice %arg6[%add3A, %dma_wait3A_862] : memref<32x512xi32, #tpu.memory_space<hbm>> -> memref<1x512xi32, #tpu.memory_space<hbm>>
      %dma_wait3A_864 = tpu.memref_squeeze %dma_wait3A_863 : memref<1x512xi32, #tpu.memory_space<hbm>> -> memref<512xi32, #tpu.memory_space<hbm>>
      tpu.wait_dma2 semaphore(%run_scoped3A_852 : memref<!tpu.dma_semaphore, #tpu.memory_space<semaphore_mem>>) src(%arg10 : memref<512xi32, #tpu.memory_space<vmem>>) dst(%dma_wait3A_864 : memref<512xi32, #tpu.memory_space<hbm>>)
      tpu.yield
    }) : () -> ()
    %run_scoped3A_370 = arith.constant 1 : i32
    %run_scoped3A_371 = arith.constant 1 : i32
    "tpu.region"() ({
      %run_scoped3A_852 = tpu.sem_alloc : memref<!tpu.dma_semaphore, #tpu.memory_space<semaphore_mem>>
      %dma_start3A_853 = arith.constant 0 : i32
      %dma_start3A_854 = tpu.memref_slice %arg7[%run_scoped3A_371, %dma_start3A_853] : memref<2x1280xi32, #tpu.memory_space<vmem>> -> memref<1x1280xi32, #tpu.memory_space<vmem>>
      %dma_start3A_855 = tpu.memref_squeeze %dma_start3A_854 : memref<1x1280xi32, #tpu.memory_space<vmem>> -> memref<1280xi32, #tpu.memory_space<vmem>>
      %dma_start3A_856 = arith.constant 0 : i32
      %dma_start3A_857 = tpu.memref_slice %arg2[%add3A, %run_scoped3A_370, %dma_start3A_856] : memref<32x8x1280xi32, #tpu.memory_space<hbm>> -> memref<1x1x1280xi32, #tpu.memory_space<hbm>>
      %dma_start3A_858 = tpu.memref_squeeze %dma_start3A_857 : memref<1x1x1280xi32, #tpu.memory_space<hbm>> -> memref<1280xi32, #tpu.memory_space<hbm>>
      %dma_start3A_859 = arith.constant 0 : i32
      %dma_start3A_860 = tpu.memref_slice %arg7[%run_scoped3A_371, %dma_start3A_859] : memref<2x1280xi32, #tpu.memory_space<vmem>> -> memref<1x1280xi32, #tpu.memory_space<vmem>>
      %dma_start3A_861 = tpu.memref_squeeze %dma_start3A_860 : memref<1x1280xi32, #tpu.memory_space<vmem>> -> memref<1280xi32, #tpu.memory_space<vmem>>
      %dma_start3A_862 = arith.constant 0 : i32
      %dma_start3A_863 = tpu.memref_slice %arg2[%add3A, %run_scoped3A_370, %dma_start3A_862] : memref<32x8x1280xi32, #tpu.memory_space<hbm>> -> memref<1x1x1280xi32, #tpu.memory_space<hbm>>
      %dma_start3A_864 = tpu.memref_squeeze %dma_start3A_863 : memref<1x1x1280xi32, #tpu.memory_space<hbm>> -> memref<1280xi32, #tpu.memory_space<hbm>>
      tpu.enqueue_dma source(%dma_start3A_864 : memref<1280xi32, #tpu.memory_space<hbm>>) target(%dma_start3A_861 : memref<1280xi32, #tpu.memory_space<vmem>>) target_semaphore(%run_scoped3A_852 : memref<!tpu.dma_semaphore, #tpu.memory_space<semaphore_mem>>)
      %dma_wait3A_865 = arith.constant 0 : i32
      %dma_wait3A_866 = tpu.memref_slice %arg7[%run_scoped3A_371, %dma_wait3A_865] : memref<2x1280xi32, #tpu.memory_space<vmem>> -> memref<1x1280xi32, #tpu.memory_space<vmem>>
      %dma_wait3A_867 = tpu.memref_squeeze %dma_wait3A_866 : memref<1x1280xi32, #tpu.memory_space<vmem>> -> memref<1280xi32, #tpu.memory_space<vmem>>
      %dma_wait3A_868 = arith.constant 0 : i32
      %dma_wait3A_869 = tpu.memref_slice %arg2[%add3A, %run_scoped3A_370, %dma_wait3A_868] : memref<32x8x1280xi32, #tpu.memory_space<hbm>> -> memref<1x1x1280xi32, #tpu.memory_space<hbm>>
      %dma_wait3A_870 = tpu.memref_squeeze %dma_wait3A_869 : memref<1x1x1280xi32, #tpu.memory_space<hbm>> -> memref<1280xi32, #tpu.memory_space<hbm>>
      %dma_wait3A_871 = arith.constant 0 : i32
      %dma_wait3A_872 = tpu.memref_slice %arg7[%run_scoped3A_371, %dma_wait3A_871] : memref<2x1280xi32, #tpu.memory_space<vmem>> -> memref<1x1280xi32, #tpu.memory_space<vmem>>
      %dma_wait3A_873 = tpu.memref_squeeze %dma_wait3A_872 : memref<1x1280xi32, #tpu.memory_space<vmem>> -> memref<1280xi32, #tpu.memory_space<vmem>>
      %dma_wait3A_874 = arith.constant 0 : i32
      %dma_wait3A_875 = tpu.memref_slice %arg2[%add3A, %run_scoped3A_370, %dma_wait3A_874] : memref<32x8x1280xi32, #tpu.memory_space<hbm>> -> memref<1x1x1280xi32, #tpu.memory_space<hbm>>
      %dma_wait3A_876 = tpu.memref_squeeze %dma_wait3A_875 : memref<1x1x1280xi32, #tpu.memory_space<hbm>> -> memref<1280xi32, #tpu.memory_space<hbm>>
      tpu.wait_dma2 semaphore(%run_scoped3A_852 : memref<!tpu.dma_semaphore, #tpu.memory_space<semaphore_mem>>) src(%dma_wait3A_876 : memref<1280xi32, #tpu.memory_space<hbm>>) dst(%dma_wait3A_873 : memref<1280xi32, #tpu.memory_space<vmem>>)
      tpu.yield
    }) : () -> ()
    %scan3A_372 = arith.constant 0 : i32
    %scan3A_373 = arith.constant 0 : i32
    %scan3A_374 = arith.constant 80 : i32
    %scan3A_375 = arith.addi %scan3A_373, %scan3A_374 : i32
    %scan3A_376 = arith.constant 1 : i32
    %scan3A_377 = scf.for %scan3A_852 = %scan3A_373 to %scan3A_375 step %scan3A_376 iter_args(%scan3A_853 = %scan3A_372) -> (i32)  : i32 {
      %mul3A_854 = arith.constant 16 : i32
      %mul3A_855 = arith.muli %scan3A_852, %mul3A_854 : i32
      %get3A_856 = arith.constant 1 : i32
      %get3A_857 = arith.index_cast %get3A_856 : i32 to index
      %get3A_858 = arith.index_cast %mul3A_855 : i32 to index
      %get3A_859 = tpu.vector_load %arg7[%get3A_857, %get3A_858] {strides = array<i32>} : memref<2x1280xi32, #tpu.memory_space<vmem>>, vector<1x16xi32>,
      %get3A_860 = vector.shape_cast %get3A_859 : vector<1x16xi32> to vector<16xi32>
      %shift_right_arithmetic3A = arith.constant 16 : i32
      %shift_right_arithmetic3A_861 = vector.broadcast %shift_right_arithmetic3A : i32 to vector<16xi32>
      %shift_right_arithmetic3A_862 = arith.shrsi %get3A_860, %shift_right_arithmetic3A_861 : vector<16xi32>
      %shift_left3A = arith.constant 16 : i32
      %shift_left3A_863 = vector.broadcast %shift_left3A : i32 to vector<16xi32>
      %shift_left3A_864 = arith.shli %shift_right_arithmetic3A_862, %shift_left3A_863 : vector<16xi32>
      %and3A = arith.constant 16383 : i32
      %and3A_865 = vector.broadcast %and3A : i32 to vector<16xi32>
      %and3A_866 = arith.andi %get3A_860, %and3A_865 : vector<16xi32>
      %shift_left3A_867 = arith.constant 2 : i32
      %shift_left3A_868 = vector.broadcast %shift_left3A_867 : i32 to vector<16xi32>
      %shift_left3A_869 = arith.shli %and3A_866, %shift_left3A_868 : vector<16xi32>
      %add3A_870 = arith.addi %shift_left3A_864, %shift_left3A_869 : vector<16xi32>
      %shift_right_arithmetic3A_871 = arith.constant 14 : i32
      %shift_right_arithmetic3A_872 = vector.broadcast %shift_right_arithmetic3A_871 : i32 to vector<16xi32>
      %shift_right_arithmetic3A_873 = arith.shrsi %get3A_860, %shift_right_arithmetic3A_872 : vector<16xi32>
      %and3A_874 = arith.constant 3 : i32
      %and3A_875 = vector.broadcast %and3A_874 : i32 to vector<16xi32>
      %and3A_876 = arith.andi %shift_right_arithmetic3A_873, %and3A_875 : vector<16xi32>
      %add3A_877 = arith.addi %add3A_870, %and3A_876 : vector<16xi32>
      %mul3A_878 = arith.constant 16 : i32
      %mul3A_879 = arith.muli %scan3A_852, %mul3A_878 : i32
      %swap3A_880 = arith.constant 1 : i32
      %swap3A_881 = arith.index_cast %swap3A_880 : i32 to index
      %swap3A_882 = arith.index_cast %mul3A_879 : i32 to index
      %swap3A_883 = tpu.vector_load %arg7[%swap3A_881, %swap3A_882] {strides = array<i32>} : memref<2x1280xi32, #tpu.memory_space<vmem>>, vector<1x16xi32>,
      %swap3A_884 = vector.shape_cast %swap3A_883 : vector<1x16xi32> to vector<16xi32>
      %swap3A_885 = vector.shape_cast %add3A_877 : vector<16xi32> to vector<1x16xi32>
      tpu.vector_store %arg7[%swap3A_881, %swap3A_882], %swap3A_885 {strides = array<i32>} : memref<2x1280xi32, #tpu.memory_space<vmem>>, vector<1x16xi32>,
      %scan3A_886 = arith.constant 0 : i32
      scf.yield %scan3A_886 : i32
    }
    %scan3A_378 = arith.constant 80 : i32
    %dma_start3A_379 = arith.constant 1 : i32
    %dma_start3A_380 = arith.constant 1 : i32
    %dma_start3A_381 = arith.constant 0 : i32
    %dma_start3A_382 = arith.constant 0 : i32
    %dma_start3A_383 = tpu.memref_slice %arg8[%dma_start3A_380, %dma_start3A_381, %dma_start3A_382] : memref<2x1280x32xf32, #tpu.memory_space<vmem>> -> memref<1x1280x32xf32, #tpu.memory_space<vmem>>
    %dma_start3A_384 = tpu.memref_squeeze %dma_start3A_383 : memref<1x1280x32xf32, #tpu.memory_space<vmem>> -> memref<1280x32xf32, #tpu.memory_space<vmem>>
    %dma_start3A_385 = arith.constant 0 : i32
    %dma_start3A_386 = tpu.memref_slice %arg7[%dma_start3A_379, %dma_start3A_385] : memref<2x1280xi32, #tpu.memory_space<vmem>> -> memref<1x1280xi32, #tpu.memory_space<vmem>>
    %dma_start3A_387 = tpu.memref_squeeze %dma_start3A_386 : memref<1x1280xi32, #tpu.memory_space<vmem>> -> memref<1280xi32, #tpu.memory_space<vmem>>
    %dma_start3A_388 = arith.constant 0 : i32
    %dma_start3A_389 = arith.constant 0 : i32
    %dma_start3A_390 = tpu.memref_slice %arg4[%dma_start3A_388, %dma_start3A_389] : memref<1048576x32xf32, #tpu.memory_space<hbm>> -> memref<1048576x32xf32, #tpu.memory_space<hbm>>
    tpu.enqueue_indirect_dma source(%dma_start3A_390 : memref<1048576x32xf32, #tpu.memory_space<hbm>>) target(%dma_start3A_384 : memref<1280x32xf32, #tpu.memory_space<vmem>>) offsets(%dma_start3A_387 : memref<1280xi32, #tpu.memory_space<vmem>>) semaphore(%arg12 : memref<!tpu.dma_semaphore, #tpu.memory_space<semaphore_mem>>)
    %dma_wait3A = arith.constant 0 : i32
    %dma_wait3A_391 = arith.constant 0 : i32
    %dma_wait3A_392 = arith.constant 0 : i32
    %dma_wait3A_393 = arith.constant 0 : i32
    %dma_wait3A_394 = tpu.memref_slice %arg8[%dma_wait3A_391, %dma_wait3A_392, %dma_wait3A_393] : memref<2x1280x32xf32, #tpu.memory_space<vmem>> -> memref<1x1280x32xf32, #tpu.memory_space<vmem>>
    %dma_wait3A_395 = tpu.memref_squeeze %dma_wait3A_394 : memref<1x1280x32xf32, #tpu.memory_space<vmem>> -> memref<1280x32xf32, #tpu.memory_space<vmem>>
    %dma_wait3A_396 = arith.constant 0 : i32
    %dma_wait3A_397 = tpu.memref_slice %arg7[%dma_wait3A, %dma_wait3A_396] : memref<2x1280xi32, #tpu.memory_space<vmem>> -> memref<1x1280xi32, #tpu.memory_space<vmem>>
    %dma_wait3A_398 = tpu.memref_squeeze %dma_wait3A_397 : memref<1x1280xi32, #tpu.memory_space<vmem>> -> memref<1280xi32, #tpu.memory_space<vmem>>
    %dma_wait3A_399 = arith.constant 0 : i32
    %dma_wait3A_400 = arith.constant 0 : i32
    %dma_wait3A_401 = tpu.memref_slice %arg4[%dma_wait3A_399, %dma_wait3A_400] : memref<1048576x32xf32, #tpu.memory_space<hbm>> -> memref<1048576x32xf32, #tpu.memory_space<hbm>>
    tpu.wait_indirect_dma semaphore(%arg11 : memref<!tpu.dma_semaphore, #tpu.memory_space<semaphore_mem>>) src(%dma_wait3A_401 : memref<1048576x32xf32, #tpu.memory_space<hbm>>) dst(%dma_wait3A_395 : memref<1280x32xf32, #tpu.memory_space<vmem>>)
    %mul3A_402 = arith.constant 10240 : i32
    %mul3A_403 = arith.muli %add3A, %mul3A_402 : i32
    %add3A_404 = arith.constant 0 : i32
    %add3A_405 = arith.addi %mul3A_403, %add3A_404 : i32
    %dma_start3A_406 = arith.constant 0 : i32
    %dma_start3A_407 = arith.constant 0 : i32
    %dma_start3A_408 = arith.constant 0 : i32
    %dma_start3A_409 = tpu.memref_slice %arg8[%dma_start3A_406, %dma_start3A_407, %dma_start3A_408] : memref<2x1280x32xf32, #tpu.memory_space<vmem>> -> memref<1x1280x32xf32, #tpu.memory_space<vmem>>
    %dma_start3A_410 = tpu.memref_squeeze %dma_start3A_409 : memref<1x1280x32xf32, #tpu.memory_space<vmem>> -> memref<1280x32xf32, #tpu.memory_space<vmem>>
    %dma_start3A_411 = arith.constant 0 : i32
    %dma_start3A_412 = tpu.memref_slice %arg5[%add3A_405, %dma_start3A_411] : memref<327680x128xf32, #tpu.memory_space<hbm>> -> memref<1280x32xf32, #tpu.memory_space<hbm>>
    %dma_start3A_413 = arith.constant 0 : i32
    %dma_start3A_414 = tpu.memref_slice %arg5[%add3A_405, %dma_start3A_413] : memref<327680x128xf32, #tpu.memory_space<hbm>> -> memref<1280x32xf32, #tpu.memory_space<hbm>>
    %dma_start3A_415 = arith.constant 0 : i32
    %dma_start3A_416 = arith.constant 0 : i32
    %dma_start3A_417 = tpu.memref_slice %arg8[%dma_start3A_406, %dma_start3A_415, %dma_start3A_416] : memref<2x1280x32xf32, #tpu.memory_space<vmem>> -> memref<1x1280x32xf32, #tpu.memory_space<vmem>>
    %dma_start3A_418 = tpu.memref_squeeze %dma_start3A_417 : memref<1x1280x32xf32, #tpu.memory_space<vmem>> -> memref<1280x32xf32, #tpu.memory_space<vmem>>
    tpu.enqueue_dma source(%dma_start3A_418 : memref<1280x32xf32, #tpu.memory_space<vmem>>) target(%dma_start3A_414 : memref<1280x32xf32, #tpu.memory_space<hbm>>) target_semaphore(%arg13 : memref<!tpu.dma_semaphore, #tpu.memory_space<semaphore_mem>>)
    %dma_wait3A_419 = arith.constant 0 : i32
    %dma_wait3A_420 = arith.constant 0 : i32
    %dma_wait3A_421 = arith.constant 0 : i32
    %dma_wait3A_422 = tpu.memref_slice %arg8[%dma_wait3A_419, %dma_wait3A_420, %dma_wait3A_421] : memref<2x1280x32xf32, #tpu.memory_space<vmem>> -> memref<1x1280x32xf32, #tpu.memory_space<vmem>>
    %dma_wait3A_423 = tpu.memref_squeeze %dma_wait3A_422 : memref<1x1280x32xf32, #tpu.memory_space<vmem>> -> memref<1280x32xf32, #tpu.memory_space<vmem>>
    %dma_wait3A_424 = arith.constant 0 : i32
    %dma_wait3A_425 = tpu.memref_slice %arg5[%add3A_405, %dma_wait3A_424] : memref<327680x128xf32, #tpu.memory_space<hbm>> -> memref<1280x32xf32, #tpu.memory_space<hbm>>
    %dma_wait3A_426 = arith.constant 0 : i32
    %dma_wait3A_427 = tpu.memref_slice %arg5[%add3A_405, %dma_wait3A_426] : memref<327680x128xf32, #tpu.memory_space<hbm>> -> memref<1280x32xf32, #tpu.memory_space<hbm>>
    %dma_wait3A_428 = arith.constant 0 : i32
    %dma_wait3A_429 = arith.constant 0 : i32
    %dma_wait3A_430 = tpu.memref_slice %arg8[%dma_wait3A_419, %dma_wait3A_428, %dma_wait3A_429] : memref<2x1280x32xf32, #tpu.memory_space<vmem>> -> memref<1x1280x32xf32, #tpu.memory_space<vmem>>
    %dma_wait3A_431 = tpu.memref_squeeze %dma_wait3A_430 : memref<1x1280x32xf32, #tpu.memory_space<vmem>> -> memref<1280x32xf32, #tpu.memory_space<vmem>>
    tpu.wait_dma2 semaphore(%arg13 : memref<!tpu.dma_semaphore, #tpu.memory_space<semaphore_mem>>) src(%dma_wait3A_431 : memref<1280x32xf32, #tpu.memory_space<vmem>>) dst(%dma_wait3A_427 : memref<1280x32xf32, #tpu.memory_space<hbm>>)
    %run_scoped3A_432 = arith.constant 2 : i32
    %run_scoped3A_433 = arith.constant 0 : i32
    "tpu.region"() ({
      %run_scoped3A_852 = tpu.sem_alloc : memref<!tpu.dma_semaphore, #tpu.memory_space<semaphore_mem>>
      %dma_start3A_853 = arith.constant 0 : i32
      %dma_start3A_854 = tpu.memref_slice %arg7[%run_scoped3A_433, %dma_start3A_853] : memref<2x1280xi32, #tpu.memory_space<vmem>> -> memref<1x1280xi32, #tpu.memory_space<vmem>>
      %dma_start3A_855 = tpu.memref_squeeze %dma_start3A_854 : memref<1x1280xi32, #tpu.memory_space<vmem>> -> memref<1280xi32, #tpu.memory_space<vmem>>
      %dma_start3A_856 = arith.constant 0 : i32
      %dma_start3A_857 = tpu.memref_slice %arg2[%add3A, %run_scoped3A_432, %dma_start3A_856] : memref<32x8x1280xi32, #tpu.memory_space<hbm>> -> memref<1x1x1280xi32, #tpu.memory_space<hbm>>
      %dma_start3A_858 = tpu.memref_squeeze %dma_start3A_857 : memref<1x1x1280xi32, #tpu.memory_space<hbm>> -> memref<1280xi32, #tpu.memory_space<hbm>>
      %dma_start3A_859 = arith.constant 0 : i32
      %dma_start3A_860 = tpu.memref_slice %arg7[%run_scoped3A_433, %dma_start3A_859] : memref<2x1280xi32, #tpu.memory_space<vmem>> -> memref<1x1280xi32, #tpu.memory_space<vmem>>
      %dma_start3A_861 = tpu.memref_squeeze %dma_start3A_860 : memref<1x1280xi32, #tpu.memory_space<vmem>> -> memref<1280xi32, #tpu.memory_space<vmem>>
      %dma_start3A_862 = arith.constant 0 : i32
      %dma_start3A_863 = tpu.memref_slice %arg2[%add3A, %run_scoped3A_432, %dma_start3A_862] : memref<32x8x1280xi32, #tpu.memory_space<hbm>> -> memref<1x1x1280xi32, #tpu.memory_space<hbm>>
      %dma_start3A_864 = tpu.memref_squeeze %dma_start3A_863 : memref<1x1x1280xi32, #tpu.memory_space<hbm>> -> memref<1280xi32, #tpu.memory_space<hbm>>
      tpu.enqueue_dma source(%dma_start3A_864 : memref<1280xi32, #tpu.memory_space<hbm>>) target(%dma_start3A_861 : memref<1280xi32, #tpu.memory_space<vmem>>) target_semaphore(%run_scoped3A_852 : memref<!tpu.dma_semaphore, #tpu.memory_space<semaphore_mem>>)
      %dma_wait3A_865 = arith.constant 0 : i32
      %dma_wait3A_866 = tpu.memref_slice %arg7[%run_scoped3A_433, %dma_wait3A_865] : memref<2x1280xi32, #tpu.memory_space<vmem>> -> memref<1x1280xi32, #tpu.memory_space<vmem>>
      %dma_wait3A_867 = tpu.memref_squeeze %dma_wait3A_866 : memref<1x1280xi32, #tpu.memory_space<vmem>> -> memref<1280xi32, #tpu.memory_space<vmem>>
      %dma_wait3A_868 = arith.constant 0 : i32
      %dma_wait3A_869 = tpu.memref_slice %arg2[%add3A, %run_scoped3A_432, %dma_wait3A_868] : memref<32x8x1280xi32, #tpu.memory_space<hbm>> -> memref<1x1x1280xi32, #tpu.memory_space<hbm>>
      %dma_wait3A_870 = tpu.memref_squeeze %dma_wait3A_869 : memref<1x1x1280xi32, #tpu.memory_space<hbm>> -> memref<1280xi32, #tpu.memory_space<hbm>>
      %dma_wait3A_871 = arith.constant 0 : i32
      %dma_wait3A_872 = tpu.memref_slice %arg7[%run_scoped3A_433, %dma_wait3A_871] : memref<2x1280xi32, #tpu.memory_space<vmem>> -> memref<1x1280xi32, #tpu.memory_space<vmem>>
      %dma_wait3A_873 = tpu.memref_squeeze %dma_wait3A_872 : memref<1x1280xi32, #tpu.memory_space<vmem>> -> memref<1280xi32, #tpu.memory_space<vmem>>
      %dma_wait3A_874 = arith.constant 0 : i32
      %dma_wait3A_875 = tpu.memref_slice %arg2[%add3A, %run_scoped3A_432, %dma_wait3A_874] : memref<32x8x1280xi32, #tpu.memory_space<hbm>> -> memref<1x1x1280xi32, #tpu.memory_space<hbm>>
      %dma_wait3A_876 = tpu.memref_squeeze %dma_wait3A_875 : memref<1x1x1280xi32, #tpu.memory_space<hbm>> -> memref<1280xi32, #tpu.memory_space<hbm>>
      tpu.wait_dma2 semaphore(%run_scoped3A_852 : memref<!tpu.dma_semaphore, #tpu.memory_space<semaphore_mem>>) src(%dma_wait3A_876 : memref<1280xi32, #tpu.memory_space<hbm>>) dst(%dma_wait3A_873 : memref<1280xi32, #tpu.memory_space<vmem>>)
      tpu.yield
    }) : () -> ()
    %scan3A_434 = arith.constant 0 : i32
    %scan3A_435 = arith.constant 0 : i32
    %scan3A_436 = arith.constant 80 : i32
    %scan3A_437 = arith.addi %scan3A_435, %scan3A_436 : i32
    %scan3A_438 = arith.constant 1 : i32
    %scan3A_439 = scf.for %scan3A_852 = %scan3A_435 to %scan3A_437 step %scan3A_438 iter_args(%scan3A_853 = %scan3A_434) -> (i32)  : i32 {
      %mul3A_854 = arith.constant 16 : i32
      %mul3A_855 = arith.muli %scan3A_852, %mul3A_854 : i32
      %get3A_856 = arith.constant 0 : i32
      %get3A_857 = arith.index_cast %get3A_856 : i32 to index
      %get3A_858 = arith.index_cast %mul3A_855 : i32 to index
      %get3A_859 = tpu.vector_load %arg7[%get3A_857, %get3A_858] {strides = array<i32>} : memref<2x1280xi32, #tpu.memory_space<vmem>>, vector<1x16xi32>,
      %get3A_860 = vector.shape_cast %get3A_859 : vector<1x16xi32> to vector<16xi32>
      %shift_right_arithmetic3A = arith.constant 16 : i32
      %shift_right_arithmetic3A_861 = vector.broadcast %shift_right_arithmetic3A : i32 to vector<16xi32>
      %shift_right_arithmetic3A_862 = arith.shrsi %get3A_860, %shift_right_arithmetic3A_861 : vector<16xi32>
      %shift_left3A = arith.constant 16 : i32
      %shift_left3A_863 = vector.broadcast %shift_left3A : i32 to vector<16xi32>
      %shift_left3A_864 = arith.shli %shift_right_arithmetic3A_862, %shift_left3A_863 : vector<16xi32>
      %and3A = arith.constant 16383 : i32
      %and3A_865 = vector.broadcast %and3A : i32 to vector<16xi32>
      %and3A_866 = arith.andi %get3A_860, %and3A_865 : vector<16xi32>
      %shift_left3A_867 = arith.constant 2 : i32
      %shift_left3A_868 = vector.broadcast %shift_left3A_867 : i32 to vector<16xi32>
      %shift_left3A_869 = arith.shli %and3A_866, %shift_left3A_868 : vector<16xi32>
      %add3A_870 = arith.addi %shift_left3A_864, %shift_left3A_869 : vector<16xi32>
      %shift_right_arithmetic3A_871 = arith.constant 14 : i32
      %shift_right_arithmetic3A_872 = vector.broadcast %shift_right_arithmetic3A_871 : i32 to vector<16xi32>
      %shift_right_arithmetic3A_873 = arith.shrsi %get3A_860, %shift_right_arithmetic3A_872 : vector<16xi32>
      %and3A_874 = arith.constant 3 : i32
      %and3A_875 = vector.broadcast %and3A_874 : i32 to vector<16xi32>
      %and3A_876 = arith.andi %shift_right_arithmetic3A_873, %and3A_875 : vector<16xi32>
      %add3A_877 = arith.addi %add3A_870, %and3A_876 : vector<16xi32>
      %mul3A_878 = arith.constant 16 : i32
      %mul3A_879 = arith.muli %scan3A_852, %mul3A_878 : i32
      %swap3A_880 = arith.constant 0 : i32
      %swap3A_881 = arith.index_cast %swap3A_880 : i32 to index
      %swap3A_882 = arith.index_cast %mul3A_879 : i32 to index
      %swap3A_883 = tpu.vector_load %arg7[%swap3A_881, %swap3A_882] {strides = array<i32>} : memref<2x1280xi32, #tpu.memory_space<vmem>>, vector<1x16xi32>,
      %swap3A_884 = vector.shape_cast %swap3A_883 : vector<1x16xi32> to vector<16xi32>
      %swap3A_885 = vector.shape_cast %add3A_877 : vector<16xi32> to vector<1x16xi32>
      tpu.vector_store %arg7[%swap3A_881, %swap3A_882], %swap3A_885 {strides = array<i32>} : memref<2x1280xi32, #tpu.memory_space<vmem>>, vector<1x16xi32>,
      %scan3A_886 = arith.constant 0 : i32
      scf.yield %scan3A_886 : i32
    }
    %scan3A_440 = arith.constant 80 : i32
    %dma_start3A_441 = arith.constant 0 : i32
    %dma_start3A_442 = arith.constant 0 : i32
    %dma_start3A_443 = arith.constant 0 : i32
    %dma_start3A_444 = arith.constant 0 : i32
    %dma_start3A_445 = tpu.memref_slice %arg8[%dma_start3A_442, %dma_start3A_443, %dma_start3A_444] : memref<2x1280x32xf32, #tpu.memory_space<vmem>> -> memref<1x1280x32xf32, #tpu.memory_space<vmem>>
    %dma_start3A_446 = tpu.memref_squeeze %dma_start3A_445 : memref<1x1280x32xf32, #tpu.memory_space<vmem>> -> memref<1280x32xf32, #tpu.memory_space<vmem>>
    %dma_start3A_447 = arith.constant 0 : i32
    %dma_start3A_448 = tpu.memref_slice %arg7[%dma_start3A_441, %dma_start3A_447] : memref<2x1280xi32, #tpu.memory_space<vmem>> -> memref<1x1280xi32, #tpu.memory_space<vmem>>
    %dma_start3A_449 = tpu.memref_squeeze %dma_start3A_448 : memref<1x1280xi32, #tpu.memory_space<vmem>> -> memref<1280xi32, #tpu.memory_space<vmem>>
    %dma_start3A_450 = arith.constant 0 : i32
    %dma_start3A_451 = arith.constant 0 : i32
    %dma_start3A_452 = tpu.memref_slice %arg4[%dma_start3A_450, %dma_start3A_451] : memref<1048576x32xf32, #tpu.memory_space<hbm>> -> memref<1048576x32xf32, #tpu.memory_space<hbm>>
    tpu.enqueue_indirect_dma source(%dma_start3A_452 : memref<1048576x32xf32, #tpu.memory_space<hbm>>) target(%dma_start3A_446 : memref<1280x32xf32, #tpu.memory_space<vmem>>) offsets(%dma_start3A_449 : memref<1280xi32, #tpu.memory_space<vmem>>) semaphore(%arg11 : memref<!tpu.dma_semaphore, #tpu.memory_space<semaphore_mem>>)
    %dma_wait3A_453 = arith.constant 1 : i32
    %dma_wait3A_454 = arith.constant 1 : i32
    %dma_wait3A_455 = arith.constant 0 : i32
    %dma_wait3A_456 = arith.constant 0 : i32
    %dma_wait3A_457 = tpu.memref_slice %arg8[%dma_wait3A_454, %dma_wait3A_455, %dma_wait3A_456] : memref<2x1280x32xf32, #tpu.memory_space<vmem>> -> memref<1x1280x32xf32, #tpu.memory_space<vmem>>
    %dma_wait3A_458 = tpu.memref_squeeze %dma_wait3A_457 : memref<1x1280x32xf32, #tpu.memory_space<vmem>> -> memref<1280x32xf32, #tpu.memory_space<vmem>>
    %dma_wait3A_459 = arith.constant 0 : i32
    %dma_wait3A_460 = tpu.memref_slice %arg7[%dma_wait3A_453, %dma_wait3A_459] : memref<2x1280xi32, #tpu.memory_space<vmem>> -> memref<1x1280xi32, #tpu.memory_space<vmem>>
    %dma_wait3A_461 = tpu.memref_squeeze %dma_wait3A_460 : memref<1x1280xi32, #tpu.memory_space<vmem>> -> memref<1280xi32, #tpu.memory_space<vmem>>
    %dma_wait3A_462 = arith.constant 0 : i32
    %dma_wait3A_463 = arith.constant 0 : i32
    %dma_wait3A_464 = tpu.memref_slice %arg4[%dma_wait3A_462, %dma_wait3A_463] : memref<1048576x32xf32, #tpu.memory_space<hbm>> -> memref<1048576x32xf32, #tpu.memory_space<hbm>>
    tpu.wait_indirect_dma semaphore(%arg12 : memref<!tpu.dma_semaphore, #tpu.memory_space<semaphore_mem>>) src(%dma_wait3A_464 : memref<1048576x32xf32, #tpu.memory_space<hbm>>) dst(%dma_wait3A_458 : memref<1280x32xf32, #tpu.memory_space<vmem>>)
    %mul3A_465 = arith.constant 10240 : i32
    %mul3A_466 = arith.muli %add3A, %mul3A_465 : i32
    %add3A_467 = arith.constant 1280 : i32
    %add3A_468 = arith.addi %mul3A_466, %add3A_467 : i32
    %dma_start3A_469 = arith.constant 1 : i32
    %dma_start3A_470 = arith.constant 0 : i32
    %dma_start3A_471 = arith.constant 0 : i32
    %dma_start3A_472 = tpu.memref_slice %arg8[%dma_start3A_469, %dma_start3A_470, %dma_start3A_471] : memref<2x1280x32xf32, #tpu.memory_space<vmem>> -> memref<1x1280x32xf32, #tpu.memory_space<vmem>>
    %dma_start3A_473 = tpu.memref_squeeze %dma_start3A_472 : memref<1x1280x32xf32, #tpu.memory_space<vmem>> -> memref<1280x32xf32, #tpu.memory_space<vmem>>
    %dma_start3A_474 = arith.constant 0 : i32
    %dma_start3A_475 = tpu.memref_slice %arg5[%add3A_468, %dma_start3A_474] : memref<327680x128xf32, #tpu.memory_space<hbm>> -> memref<1280x32xf32, #tpu.memory_space<hbm>>
    %dma_start3A_476 = arith.constant 0 : i32
    %dma_start3A_477 = tpu.memref_slice %arg5[%add3A_468, %dma_start3A_476] : memref<327680x128xf32, #tpu.memory_space<hbm>> -> memref<1280x32xf32, #tpu.memory_space<hbm>>
    %dma_start3A_478 = arith.constant 0 : i32
    %dma_start3A_479 = arith.constant 0 : i32
    %dma_start3A_480 = tpu.memref_slice %arg8[%dma_start3A_469, %dma_start3A_478, %dma_start3A_479] : memref<2x1280x32xf32, #tpu.memory_space<vmem>> -> memref<1x1280x32xf32, #tpu.memory_space<vmem>>
    %dma_start3A_481 = tpu.memref_squeeze %dma_start3A_480 : memref<1x1280x32xf32, #tpu.memory_space<vmem>> -> memref<1280x32xf32, #tpu.memory_space<vmem>>
    tpu.enqueue_dma source(%dma_start3A_481 : memref<1280x32xf32, #tpu.memory_space<vmem>>) target(%dma_start3A_477 : memref<1280x32xf32, #tpu.memory_space<hbm>>) target_semaphore(%arg14 : memref<!tpu.dma_semaphore, #tpu.memory_space<semaphore_mem>>)
    %dma_wait3A_482 = arith.constant 1 : i32
    %dma_wait3A_483 = arith.constant 0 : i32
    %dma_wait3A_484 = arith.constant 0 : i32
    %dma_wait3A_485 = tpu.memref_slice %arg8[%dma_wait3A_482, %dma_wait3A_483, %dma_wait3A_484] : memref<2x1280x32xf32, #tpu.memory_space<vmem>> -> memref<1x1280x32xf32, #tpu.memory_space<vmem>>
    %dma_wait3A_486 = tpu.memref_squeeze %dma_wait3A_485 : memref<1x1280x32xf32, #tpu.memory_space<vmem>> -> memref<1280x32xf32, #tpu.memory_space<vmem>>
    %dma_wait3A_487 = arith.constant 0 : i32
    %dma_wait3A_488 = tpu.memref_slice %arg5[%add3A_468, %dma_wait3A_487] : memref<327680x128xf32, #tpu.memory_space<hbm>> -> memref<1280x32xf32, #tpu.memory_space<hbm>>
    %dma_wait3A_489 = arith.constant 0 : i32
    %dma_wait3A_490 = tpu.memref_slice %arg5[%add3A_468, %dma_wait3A_489] : memref<327680x128xf32, #tpu.memory_space<hbm>> -> memref<1280x32xf32, #tpu.memory_space<hbm>>
    %dma_wait3A_491 = arith.constant 0 : i32
    %dma_wait3A_492 = arith.constant 0 : i32
    %dma_wait3A_493 = tpu.memref_slice %arg8[%dma_wait3A_482, %dma_wait3A_491, %dma_wait3A_492] : memref<2x1280x32xf32, #tpu.memory_space<vmem>> -> memref<1x1280x32xf32, #tpu.memory_space<vmem>>
    %dma_wait3A_494 = tpu.memref_squeeze %dma_wait3A_493 : memref<1x1280x32xf32, #tpu.memory_space<vmem>> -> memref<1280x32xf32, #tpu.memory_space<vmem>>
    tpu.wait_dma2 semaphore(%arg14 : memref<!tpu.dma_semaphore, #tpu.memory_space<semaphore_mem>>) src(%dma_wait3A_494 : memref<1280x32xf32, #tpu.memory_space<vmem>>) dst(%dma_wait3A_490 : memref<1280x32xf32, #tpu.memory_space<hbm>>)
    %run_scoped3A_495 = arith.constant 3 : i32
    %run_scoped3A_496 = arith.constant 1 : i32
    "tpu.region"() ({
      %run_scoped3A_852 = tpu.sem_alloc : memref<!tpu.dma_semaphore, #tpu.memory_space<semaphore_mem>>
      %dma_start3A_853 = arith.constant 0 : i32
      %dma_start3A_854 = tpu.memref_slice %arg7[%run_scoped3A_496, %dma_start3A_853] : memref<2x1280xi32, #tpu.memory_space<vmem>> -> memref<1x1280xi32, #tpu.memory_space<vmem>>
      %dma_start3A_855 = tpu.memref_squeeze %dma_start3A_854 : memref<1x1280xi32, #tpu.memory_space<vmem>> -> memref<1280xi32, #tpu.memory_space<vmem>>
      %dma_start3A_856 = arith.constant 0 : i32
      %dma_start3A_857 = tpu.memref_slice %arg2[%add3A, %run_scoped3A_495, %dma_start3A_856] : memref<32x8x1280xi32, #tpu.memory_space<hbm>> -> memref<1x1x1280xi32, #tpu.memory_space<hbm>>
      %dma_start3A_858 = tpu.memref_squeeze %dma_start3A_857 : memref<1x1x1280xi32, #tpu.memory_space<hbm>> -> memref<1280xi32, #tpu.memory_space<hbm>>
      %dma_start3A_859 = arith.constant 0 : i32
      %dma_start3A_860 = tpu.memref_slice %arg7[%run_scoped3A_496, %dma_start3A_859] : memref<2x1280xi32, #tpu.memory_space<vmem>> -> memref<1x1280xi32, #tpu.memory_space<vmem>>
      %dma_start3A_861 = tpu.memref_squeeze %dma_start3A_860 : memref<1x1280xi32, #tpu.memory_space<vmem>> -> memref<1280xi32, #tpu.memory_space<vmem>>
      %dma_start3A_862 = arith.constant 0 : i32
      %dma_start3A_863 = tpu.memref_slice %arg2[%add3A, %run_scoped3A_495, %dma_start3A_862] : memref<32x8x1280xi32, #tpu.memory_space<hbm>> -> memref<1x1x1280xi32, #tpu.memory_space<hbm>>
      %dma_start3A_864 = tpu.memref_squeeze %dma_start3A_863 : memref<1x1x1280xi32, #tpu.memory_space<hbm>> -> memref<1280xi32, #tpu.memory_space<hbm>>
      tpu.enqueue_dma source(%dma_start3A_864 : memref<1280xi32, #tpu.memory_space<hbm>>) target(%dma_start3A_861 : memref<1280xi32, #tpu.memory_space<vmem>>) target_semaphore(%run_scoped3A_852 : memref<!tpu.dma_semaphore, #tpu.memory_space<semaphore_mem>>)
      %dma_wait3A_865 = arith.constant 0 : i32
      %dma_wait3A_866 = tpu.memref_slice %arg7[%run_scoped3A_496, %dma_wait3A_865] : memref<2x1280xi32, #tpu.memory_space<vmem>> -> memref<1x1280xi32, #tpu.memory_space<vmem>>
      %dma_wait3A_867 = tpu.memref_squeeze %dma_wait3A_866 : memref<1x1280xi32, #tpu.memory_space<vmem>> -> memref<1280xi32, #tpu.memory_space<vmem>>
      %dma_wait3A_868 = arith.constant 0 : i32
      %dma_wait3A_869 = tpu.memref_slice %arg2[%add3A, %run_scoped3A_495, %dma_wait3A_868] : memref<32x8x1280xi32, #tpu.memory_space<hbm>> -> memref<1x1x1280xi32, #tpu.memory_space<hbm>>
      %dma_wait3A_870 = tpu.memref_squeeze %dma_wait3A_869 : memref<1x1x1280xi32, #tpu.memory_space<hbm>> -> memref<1280xi32, #tpu.memory_space<hbm>>
      %dma_wait3A_871 = arith.constant 0 : i32
      %dma_wait3A_872 = tpu.memref_slice %arg7[%run_scoped3A_496, %dma_wait3A_871] : memref<2x1280xi32, #tpu.memory_space<vmem>> -> memref<1x1280xi32, #tpu.memory_space<vmem>>
      %dma_wait3A_873 = tpu.memref_squeeze %dma_wait3A_872 : memref<1x1280xi32, #tpu.memory_space<vmem>> -> memref<1280xi32, #tpu.memory_space<vmem>>
      %dma_wait3A_874 = arith.constant 0 : i32
      %dma_wait3A_875 = tpu.memref_slice %arg2[%add3A, %run_scoped3A_495, %dma_wait3A_874] : memref<32x8x1280xi32, #tpu.memory_space<hbm>> -> memref<1x1x1280xi32, #tpu.memory_space<hbm>>
      %dma_wait3A_876 = tpu.memref_squeeze %dma_wait3A_875 : memref<1x1x1280xi32, #tpu.memory_space<hbm>> -> memref<1280xi32, #tpu.memory_space<hbm>>
      tpu.wait_dma2 semaphore(%run_scoped3A_852 : memref<!tpu.dma_semaphore, #tpu.memory_space<semaphore_mem>>) src(%dma_wait3A_876 : memref<1280xi32, #tpu.memory_space<hbm>>) dst(%dma_wait3A_873 : memref<1280xi32, #tpu.memory_space<vmem>>)
      tpu.yield
    }) : () -> ()
    %scan3A_497 = arith.constant 0 : i32
    %scan3A_498 = arith.constant 0 : i32
    %scan3A_499 = arith.constant 80 : i32
    %scan3A_500 = arith.addi %scan3A_498, %scan3A_499 : i32
    %scan3A_501 = arith.constant 1 : i32
    %scan3A_502 = scf.for %scan3A_852 = %scan3A_498 to %scan3A_500 step %scan3A_501 iter_args(%scan3A_853 = %scan3A_497) -> (i32)  : i32 {
      %mul3A_854 = arith.constant 16 : i32
      %mul3A_855 = arith.muli %scan3A_852, %mul3A_854 : i32
      %get3A_856 = arith.constant 1 : i32
      %get3A_857 = arith.index_cast %get3A_856 : i32 to index
      %get3A_858 = arith.index_cast %mul3A_855 : i32 to index
      %get3A_859 = tpu.vector_load %arg7[%get3A_857, %get3A_858] {strides = array<i32>} : memref<2x1280xi32, #tpu.memory_space<vmem>>, vector<1x16xi32>,
      %get3A_860 = vector.shape_cast %get3A_859 : vector<1x16xi32> to vector<16xi32>
      %shift_right_arithmetic3A = arith.constant 16 : i32
      %shift_right_arithmetic3A_861 = vector.broadcast %shift_right_arithmetic3A : i32 to vector<16xi32>
      %shift_right_arithmetic3A_862 = arith.shrsi %get3A_860, %shift_right_arithmetic3A_861 : vector<16xi32>
      %shift_left3A = arith.constant 16 : i32
      %shift_left3A_863 = vector.broadcast %shift_left3A : i32 to vector<16xi32>
      %shift_left3A_864 = arith.shli %shift_right_arithmetic3A_862, %shift_left3A_863 : vector<16xi32>
      %and3A = arith.constant 16383 : i32
      %and3A_865 = vector.broadcast %and3A : i32 to vector<16xi32>
      %and3A_866 = arith.andi %get3A_860, %and3A_865 : vector<16xi32>
      %shift_left3A_867 = arith.constant 2 : i32
      %shift_left3A_868 = vector.broadcast %shift_left3A_867 : i32 to vector<16xi32>
      %shift_left3A_869 = arith.shli %and3A_866, %shift_left3A_868 : vector<16xi32>
      %add3A_870 = arith.addi %shift_left3A_864, %shift_left3A_869 : vector<16xi32>
      %shift_right_arithmetic3A_871 = arith.constant 14 : i32
      %shift_right_arithmetic3A_872 = vector.broadcast %shift_right_arithmetic3A_871 : i32 to vector<16xi32>
      %shift_right_arithmetic3A_873 = arith.shrsi %get3A_860, %shift_right_arithmetic3A_872 : vector<16xi32>
      %and3A_874 = arith.constant 3 : i32
      %and3A_875 = vector.broadcast %and3A_874 : i32 to vector<16xi32>
      %and3A_876 = arith.andi %shift_right_arithmetic3A_873, %and3A_875 : vector<16xi32>
      %add3A_877 = arith.addi %add3A_870, %and3A_876 : vector<16xi32>
      %mul3A_878 = arith.constant 16 : i32
      %mul3A_879 = arith.muli %scan3A_852, %mul3A_878 : i32
      %swap3A_880 = arith.constant 1 : i32
      %swap3A_881 = arith.index_cast %swap3A_880 : i32 to index
      %swap3A_882 = arith.index_cast %mul3A_879 : i32 to index
      %swap3A_883 = tpu.vector_load %arg7[%swap3A_881, %swap3A_882] {strides = array<i32>} : memref<2x1280xi32, #tpu.memory_space<vmem>>, vector<1x16xi32>,
      %swap3A_884 = vector.shape_cast %swap3A_883 : vector<1x16xi32> to vector<16xi32>
      %swap3A_885 = vector.shape_cast %add3A_877 : vector<16xi32> to vector<1x16xi32>
      tpu.vector_store %arg7[%swap3A_881, %swap3A_882], %swap3A_885 {strides = array<i32>} : memref<2x1280xi32, #tpu.memory_space<vmem>>, vector<1x16xi32>,
      %scan3A_886 = arith.constant 0 : i32
      scf.yield %scan3A_886 : i32
    }
    %scan3A_503 = arith.constant 80 : i32
    %dma_start3A_504 = arith.constant 1 : i32
    %dma_start3A_505 = arith.constant 1 : i32
    %dma_start3A_506 = arith.constant 0 : i32
    %dma_start3A_507 = arith.constant 0 : i32
    %dma_start3A_508 = tpu.memref_slice %arg8[%dma_start3A_505, %dma_start3A_506, %dma_start3A_507] : memref<2x1280x32xf32, #tpu.memory_space<vmem>> -> memref<1x1280x32xf32, #tpu.memory_space<vmem>>
    %dma_start3A_509 = tpu.memref_squeeze %dma_start3A_508 : memref<1x1280x32xf32, #tpu.memory_space<vmem>> -> memref<1280x32xf32, #tpu.memory_space<vmem>>
    %dma_start3A_510 = arith.constant 0 : i32
    %dma_start3A_511 = tpu.memref_slice %arg7[%dma_start3A_504, %dma_start3A_510] : memref<2x1280xi32, #tpu.memory_space<vmem>> -> memref<1x1280xi32, #tpu.memory_space<vmem>>
    %dma_start3A_512 = tpu.memref_squeeze %dma_start3A_511 : memref<1x1280xi32, #tpu.memory_space<vmem>> -> memref<1280xi32, #tpu.memory_space<vmem>>
    %dma_start3A_513 = arith.constant 0 : i32
    %dma_start3A_514 = arith.constant 0 : i32
    %dma_start3A_515 = tpu.memref_slice %arg4[%dma_start3A_513, %dma_start3A_514] : memref<1048576x32xf32, #tpu.memory_space<hbm>> -> memref<1048576x32xf32, #tpu.memory_space<hbm>>
    tpu.enqueue_indirect_dma source(%dma_start3A_515 : memref<1048576x32xf32, #tpu.memory_space<hbm>>) target(%dma_start3A_509 : memref<1280x32xf32, #tpu.memory_space<vmem>>) offsets(%dma_start3A_512 : memref<1280xi32, #tpu.memory_space<vmem>>) semaphore(%arg12 : memref<!tpu.dma_semaphore, #tpu.memory_space<semaphore_mem>>)
    %dma_wait3A_516 = arith.constant 0 : i32
    %dma_wait3A_517 = arith.constant 0 : i32
    %dma_wait3A_518 = arith.constant 0 : i32
    %dma_wait3A_519 = arith.constant 0 : i32
    %dma_wait3A_520 = tpu.memref_slice %arg8[%dma_wait3A_517, %dma_wait3A_518, %dma_wait3A_519] : memref<2x1280x32xf32, #tpu.memory_space<vmem>> -> memref<1x1280x32xf32, #tpu.memory_space<vmem>>
    %dma_wait3A_521 = tpu.memref_squeeze %dma_wait3A_520 : memref<1x1280x32xf32, #tpu.memory_space<vmem>> -> memref<1280x32xf32, #tpu.memory_space<vmem>>
    %dma_wait3A_522 = arith.constant 0 : i32
    %dma_wait3A_523 = tpu.memref_slice %arg7[%dma_wait3A_516, %dma_wait3A_522] : memref<2x1280xi32, #tpu.memory_space<vmem>> -> memref<1x1280xi32, #tpu.memory_space<vmem>>
    %dma_wait3A_524 = tpu.memref_squeeze %dma_wait3A_523 : memref<1x1280xi32, #tpu.memory_space<vmem>> -> memref<1280xi32, #tpu.memory_space<vmem>>
    %dma_wait3A_525 = arith.constant 0 : i32
    %dma_wait3A_526 = arith.constant 0 : i32
    %dma_wait3A_527 = tpu.memref_slice %arg4[%dma_wait3A_525, %dma_wait3A_526] : memref<1048576x32xf32, #tpu.memory_space<hbm>> -> memref<1048576x32xf32, #tpu.memory_space<hbm>>
    tpu.wait_indirect_dma semaphore(%arg11 : memref<!tpu.dma_semaphore, #tpu.memory_space<semaphore_mem>>) src(%dma_wait3A_527 : memref<1048576x32xf32, #tpu.memory_space<hbm>>) dst(%dma_wait3A_521 : memref<1280x32xf32, #tpu.memory_space<vmem>>)
    %mul3A_528 = arith.constant 10240 : i32
    %mul3A_529 = arith.muli %add3A, %mul3A_528 : i32
    %add3A_530 = arith.constant 2560 : i32
    %add3A_531 = arith.addi %mul3A_529, %add3A_530 : i32
    %dma_start3A_532 = arith.constant 0 : i32
    %dma_start3A_533 = arith.constant 0 : i32
    %dma_start3A_534 = arith.constant 0 : i32
    %dma_start3A_535 = tpu.memref_slice %arg8[%dma_start3A_532, %dma_start3A_533, %dma_start3A_534] : memref<2x1280x32xf32, #tpu.memory_space<vmem>> -> memref<1x1280x32xf32, #tpu.memory_space<vmem>>
    %dma_start3A_536 = tpu.memref_squeeze %dma_start3A_535 : memref<1x1280x32xf32, #tpu.memory_space<vmem>> -> memref<1280x32xf32, #tpu.memory_space<vmem>>
    %dma_start3A_537 = arith.constant 0 : i32
    %dma_start3A_538 = tpu.memref_slice %arg5[%add3A_531, %dma_start3A_537] : memref<327680x128xf32, #tpu.memory_space<hbm>> -> memref<1280x32xf32, #tpu.memory_space<hbm>>
    %dma_start3A_539 = arith.constant 0 : i32
    %dma_start3A_540 = tpu.memref_slice %arg5[%add3A_531, %dma_start3A_539] : memref<327680x128xf32, #tpu.memory_space<hbm>> -> memref<1280x32xf32, #tpu.memory_space<hbm>>
    %dma_start3A_541 = arith.constant 0 : i32
    %dma_start3A_542 = arith.constant 0 : i32
    %dma_start3A_543 = tpu.memref_slice %arg8[%dma_start3A_532, %dma_start3A_541, %dma_start3A_542] : memref<2x1280x32xf32, #tpu.memory_space<vmem>> -> memref<1x1280x32xf32, #tpu.memory_space<vmem>>
    %dma_start3A_544 = tpu.memref_squeeze %dma_start3A_543 : memref<1x1280x32xf32, #tpu.memory_space<vmem>> -> memref<1280x32xf32, #tpu.memory_space<vmem>>
    tpu.enqueue_dma source(%dma_start3A_544 : memref<1280x32xf32, #tpu.memory_space<vmem>>) target(%dma_start3A_540 : memref<1280x32xf32, #tpu.memory_space<hbm>>) target_semaphore(%arg13 : memref<!tpu.dma_semaphore, #tpu.memory_space<semaphore_mem>>)
    %dma_wait3A_545 = arith.constant 0 : i32
    %dma_wait3A_546 = arith.constant 0 : i32
    %dma_wait3A_547 = arith.constant 0 : i32
    %dma_wait3A_548 = tpu.memref_slice %arg8[%dma_wait3A_545, %dma_wait3A_546, %dma_wait3A_547] : memref<2x1280x32xf32, #tpu.memory_space<vmem>> -> memref<1x1280x32xf32, #tpu.memory_space<vmem>>
    %dma_wait3A_549 = tpu.memref_squeeze %dma_wait3A_548 : memref<1x1280x32xf32, #tpu.memory_space<vmem>> -> memref<1280x32xf32, #tpu.memory_space<vmem>>
    %dma_wait3A_550 = arith.constant 0 : i32
    %dma_wait3A_551 = tpu.memref_slice %arg5[%add3A_531, %dma_wait3A_550] : memref<327680x128xf32, #tpu.memory_space<hbm>> -> memref<1280x32xf32, #tpu.memory_space<hbm>>
    %dma_wait3A_552 = arith.constant 0 : i32
    %dma_wait3A_553 = tpu.memref_slice %arg5[%add3A_531, %dma_wait3A_552] : memref<327680x128xf32, #tpu.memory_space<hbm>> -> memref<1280x32xf32, #tpu.memory_space<hbm>>
    %dma_wait3A_554 = arith.constant 0 : i32
    %dma_wait3A_555 = arith.constant 0 : i32
    %dma_wait3A_556 = tpu.memref_slice %arg8[%dma_wait3A_545, %dma_wait3A_554, %dma_wait3A_555] : memref<2x1280x32xf32, #tpu.memory_space<vmem>> -> memref<1x1280x32xf32, #tpu.memory_space<vmem>>
    %dma_wait3A_557 = tpu.memref_squeeze %dma_wait3A_556 : memref<1x1280x32xf32, #tpu.memory_space<vmem>> -> memref<1280x32xf32, #tpu.memory_space<vmem>>
    tpu.wait_dma2 semaphore(%arg13 : memref<!tpu.dma_semaphore, #tpu.memory_space<semaphore_mem>>) src(%dma_wait3A_557 : memref<1280x32xf32, #tpu.memory_space<vmem>>) dst(%dma_wait3A_553 : memref<1280x32xf32, #tpu.memory_space<hbm>>)
    %run_scoped3A_558 = arith.constant 4 : i32
    %run_scoped3A_559 = arith.constant 0 : i32
    "tpu.region"() ({
      %run_scoped3A_852 = tpu.sem_alloc : memref<!tpu.dma_semaphore, #tpu.memory_space<semaphore_mem>>
      %dma_start3A_853 = arith.constant 0 : i32
      %dma_start3A_854 = tpu.memref_slice %arg7[%run_scoped3A_559, %dma_start3A_853] : memref<2x1280xi32, #tpu.memory_space<vmem>> -> memref<1x1280xi32, #tpu.memory_space<vmem>>
      %dma_start3A_855 = tpu.memref_squeeze %dma_start3A_854 : memref<1x1280xi32, #tpu.memory_space<vmem>> -> memref<1280xi32, #tpu.memory_space<vmem>>
      %dma_start3A_856 = arith.constant 0 : i32
      %dma_start3A_857 = tpu.memref_slice %arg2[%add3A, %run_scoped3A_558, %dma_start3A_856] : memref<32x8x1280xi32, #tpu.memory_space<hbm>> -> memref<1x1x1280xi32, #tpu.memory_space<hbm>>
      %dma_start3A_858 = tpu.memref_squeeze %dma_start3A_857 : memref<1x1x1280xi32, #tpu.memory_space<hbm>> -> memref<1280xi32, #tpu.memory_space<hbm>>
      %dma_start3A_859 = arith.constant 0 : i32
      %dma_start3A_860 = tpu.memref_slice %arg7[%run_scoped3A_559, %dma_start3A_859] : memref<2x1280xi32, #tpu.memory_space<vmem>> -> memref<1x1280xi32, #tpu.memory_space<vmem>>
      %dma_start3A_861 = tpu.memref_squeeze %dma_start3A_860 : memref<1x1280xi32, #tpu.memory_space<vmem>> -> memref<1280xi32, #tpu.memory_space<vmem>>
      %dma_start3A_862 = arith.constant 0 : i32
      %dma_start3A_863 = tpu.memref_slice %arg2[%add3A, %run_scoped3A_558, %dma_start3A_862] : memref<32x8x1280xi32, #tpu.memory_space<hbm>> -> memref<1x1x1280xi32, #tpu.memory_space<hbm>>
      %dma_start3A_864 = tpu.memref_squeeze %dma_start3A_863 : memref<1x1x1280xi32, #tpu.memory_space<hbm>> -> memref<1280xi32, #tpu.memory_space<hbm>>
      tpu.enqueue_dma source(%dma_start3A_864 : memref<1280xi32, #tpu.memory_space<hbm>>) target(%dma_start3A_861 : memref<1280xi32, #tpu.memory_space<vmem>>) target_semaphore(%run_scoped3A_852 : memref<!tpu.dma_semaphore, #tpu.memory_space<semaphore_mem>>)
      %dma_wait3A_865 = arith.constant 0 : i32
      %dma_wait3A_866 = tpu.memref_slice %arg7[%run_scoped3A_559, %dma_wait3A_865] : memref<2x1280xi32, #tpu.memory_space<vmem>> -> memref<1x1280xi32, #tpu.memory_space<vmem>>
      %dma_wait3A_867 = tpu.memref_squeeze %dma_wait3A_866 : memref<1x1280xi32, #tpu.memory_space<vmem>> -> memref<1280xi32, #tpu.memory_space<vmem>>
      %dma_wait3A_868 = arith.constant 0 : i32
      %dma_wait3A_869 = tpu.memref_slice %arg2[%add3A, %run_scoped3A_558, %dma_wait3A_868] : memref<32x8x1280xi32, #tpu.memory_space<hbm>> -> memref<1x1x1280xi32, #tpu.memory_space<hbm>>
      %dma_wait3A_870 = tpu.memref_squeeze %dma_wait3A_869 : memref<1x1x1280xi32, #tpu.memory_space<hbm>> -> memref<1280xi32, #tpu.memory_space<hbm>>
      %dma_wait3A_871 = arith.constant 0 : i32
      %dma_wait3A_872 = tpu.memref_slice %arg7[%run_scoped3A_559, %dma_wait3A_871] : memref<2x1280xi32, #tpu.memory_space<vmem>> -> memref<1x1280xi32, #tpu.memory_space<vmem>>
      %dma_wait3A_873 = tpu.memref_squeeze %dma_wait3A_872 : memref<1x1280xi32, #tpu.memory_space<vmem>> -> memref<1280xi32, #tpu.memory_space<vmem>>
      %dma_wait3A_874 = arith.constant 0 : i32
      %dma_wait3A_875 = tpu.memref_slice %arg2[%add3A, %run_scoped3A_558, %dma_wait3A_874] : memref<32x8x1280xi32, #tpu.memory_space<hbm>> -> memref<1x1x1280xi32, #tpu.memory_space<hbm>>
      %dma_wait3A_876 = tpu.memref_squeeze %dma_wait3A_875 : memref<1x1x1280xi32, #tpu.memory_space<hbm>> -> memref<1280xi32, #tpu.memory_space<hbm>>
      tpu.wait_dma2 semaphore(%run_scoped3A_852 : memref<!tpu.dma_semaphore, #tpu.memory_space<semaphore_mem>>) src(%dma_wait3A_876 : memref<1280xi32, #tpu.memory_space<hbm>>) dst(%dma_wait3A_873 : memref<1280xi32, #tpu.memory_space<vmem>>)
      tpu.yield
    }) : () -> ()
    %scan3A_560 = arith.constant 0 : i32
    %scan3A_561 = arith.constant 0 : i32
    %scan3A_562 = arith.constant 80 : i32
    %scan3A_563 = arith.addi %scan3A_561, %scan3A_562 : i32
    %scan3A_564 = arith.constant 1 : i32
    %scan3A_565 = scf.for %scan3A_852 = %scan3A_561 to %scan3A_563 step %scan3A_564 iter_args(%scan3A_853 = %scan3A_560) -> (i32)  : i32 {
      %mul3A_854 = arith.constant 16 : i32
      %mul3A_855 = arith.muli %scan3A_852, %mul3A_854 : i32
      %get3A_856 = arith.constant 0 : i32
      %get3A_857 = arith.index_cast %get3A_856 : i32 to index
      %get3A_858 = arith.index_cast %mul3A_855 : i32 to index
      %get3A_859 = tpu.vector_load %arg7[%get3A_857, %get3A_858] {strides = array<i32>} : memref<2x1280xi32, #tpu.memory_space<vmem>>, vector<1x16xi32>,
      %get3A_860 = vector.shape_cast %get3A_859 : vector<1x16xi32> to vector<16xi32>
      %shift_right_arithmetic3A = arith.constant 16 : i32
      %shift_right_arithmetic3A_861 = vector.broadcast %shift_right_arithmetic3A : i32 to vector<16xi32>
      %shift_right_arithmetic3A_862 = arith.shrsi %get3A_860, %shift_right_arithmetic3A_861 : vector<16xi32>
      %shift_left3A = arith.constant 16 : i32
      %shift_left3A_863 = vector.broadcast %shift_left3A : i32 to vector<16xi32>
      %shift_left3A_864 = arith.shli %shift_right_arithmetic3A_862, %shift_left3A_863 : vector<16xi32>
      %and3A = arith.constant 16383 : i32
      %and3A_865 = vector.broadcast %and3A : i32 to vector<16xi32>
      %and3A_866 = arith.andi %get3A_860, %and3A_865 : vector<16xi32>
      %shift_left3A_867 = arith.constant 2 : i32
      %shift_left3A_868 = vector.broadcast %shift_left3A_867 : i32 to vector<16xi32>
      %shift_left3A_869 = arith.shli %and3A_866, %shift_left3A_868 : vector<16xi32>
      %add3A_870 = arith.addi %shift_left3A_864, %shift_left3A_869 : vector<16xi32>
      %shift_right_arithmetic3A_871 = arith.constant 14 : i32
      %shift_right_arithmetic3A_872 = vector.broadcast %shift_right_arithmetic3A_871 : i32 to vector<16xi32>
      %shift_right_arithmetic3A_873 = arith.shrsi %get3A_860, %shift_right_arithmetic3A_872 : vector<16xi32>
      %and3A_874 = arith.constant 3 : i32
      %and3A_875 = vector.broadcast %and3A_874 : i32 to vector<16xi32>
      %and3A_876 = arith.andi %shift_right_arithmetic3A_873, %and3A_875 : vector<16xi32>
      %add3A_877 = arith.addi %add3A_870, %and3A_876 : vector<16xi32>
      %mul3A_878 = arith.constant 16 : i32
      %mul3A_879 = arith.muli %scan3A_852, %mul3A_878 : i32
      %swap3A_880 = arith.constant 0 : i32
      %swap3A_881 = arith.index_cast %swap3A_880 : i32 to index
      %swap3A_882 = arith.index_cast %mul3A_879 : i32 to index
      %swap3A_883 = tpu.vector_load %arg7[%swap3A_881, %swap3A_882] {strides = array<i32>} : memref<2x1280xi32, #tpu.memory_space<vmem>>, vector<1x16xi32>,
      %swap3A_884 = vector.shape_cast %swap3A_883 : vector<1x16xi32> to vector<16xi32>
      %swap3A_885 = vector.shape_cast %add3A_877 : vector<16xi32> to vector<1x16xi32>
      tpu.vector_store %arg7[%swap3A_881, %swap3A_882], %swap3A_885 {strides = array<i32>} : memref<2x1280xi32, #tpu.memory_space<vmem>>, vector<1x16xi32>,
      %scan3A_886 = arith.constant 0 : i32
      scf.yield %scan3A_886 : i32
    }
    %scan3A_566 = arith.constant 80 : i32
    %dma_start3A_567 = arith.constant 0 : i32
    %dma_start3A_568 = arith.constant 0 : i32
    %dma_start3A_569 = arith.constant 0 : i32
    %dma_start3A_570 = arith.constant 0 : i32
    %dma_start3A_571 = tpu.memref_slice %arg8[%dma_start3A_568, %dma_start3A_569, %dma_start3A_570] : memref<2x1280x32xf32, #tpu.memory_space<vmem>> -> memref<1x1280x32xf32, #tpu.memory_space<vmem>>
    %dma_start3A_572 = tpu.memref_squeeze %dma_start3A_571 : memref<1x1280x32xf32, #tpu.memory_space<vmem>> -> memref<1280x32xf32, #tpu.memory_space<vmem>>
    %dma_start3A_573 = arith.constant 0 : i32
    %dma_start3A_574 = tpu.memref_slice %arg7[%dma_start3A_567, %dma_start3A_573] : memref<2x1280xi32, #tpu.memory_space<vmem>> -> memref<1x1280xi32, #tpu.memory_space<vmem>>
    %dma_start3A_575 = tpu.memref_squeeze %dma_start3A_574 : memref<1x1280xi32, #tpu.memory_space<vmem>> -> memref<1280xi32, #tpu.memory_space<vmem>>
    %dma_start3A_576 = arith.constant 0 : i32
    %dma_start3A_577 = arith.constant 0 : i32
    %dma_start3A_578 = tpu.memref_slice %arg4[%dma_start3A_576, %dma_start3A_577] : memref<1048576x32xf32, #tpu.memory_space<hbm>> -> memref<1048576x32xf32, #tpu.memory_space<hbm>>
    tpu.enqueue_indirect_dma source(%dma_start3A_578 : memref<1048576x32xf32, #tpu.memory_space<hbm>>) target(%dma_start3A_572 : memref<1280x32xf32, #tpu.memory_space<vmem>>) offsets(%dma_start3A_575 : memref<1280xi32, #tpu.memory_space<vmem>>) semaphore(%arg11 : memref<!tpu.dma_semaphore, #tpu.memory_space<semaphore_mem>>)
    %dma_wait3A_579 = arith.constant 1 : i32
    %dma_wait3A_580 = arith.constant 1 : i32
    %dma_wait3A_581 = arith.constant 0 : i32
    %dma_wait3A_582 = arith.constant 0 : i32
    %dma_wait3A_583 = tpu.memref_slice %arg8[%dma_wait3A_580, %dma_wait3A_581, %dma_wait3A_582] : memref<2x1280x32xf32, #tpu.memory_space<vmem>> -> memref<1x1280x32xf32, #tpu.memory_space<vmem>>
    %dma_wait3A_584 = tpu.memref_squeeze %dma_wait3A_583 : memref<1x1280x32xf32, #tpu.memory_space<vmem>> -> memref<1280x32xf32, #tpu.memory_space<vmem>>
    %dma_wait3A_585 = arith.constant 0 : i32
    %dma_wait3A_586 = tpu.memref_slice %arg7[%dma_wait3A_579, %dma_wait3A_585] : memref<2x1280xi32, #tpu.memory_space<vmem>> -> memref<1x1280xi32, #tpu.memory_space<vmem>>
    %dma_wait3A_587 = tpu.memref_squeeze %dma_wait3A_586 : memref<1x1280xi32, #tpu.memory_space<vmem>> -> memref<1280xi32, #tpu.memory_space<vmem>>
    %dma_wait3A_588 = arith.constant 0 : i32
    %dma_wait3A_589 = arith.constant 0 : i32
    %dma_wait3A_590 = tpu.memref_slice %arg4[%dma_wait3A_588, %dma_wait3A_589] : memref<1048576x32xf32, #tpu.memory_space<hbm>> -> memref<1048576x32xf32, #tpu.memory_space<hbm>>
    tpu.wait_indirect_dma semaphore(%arg12 : memref<!tpu.dma_semaphore, #tpu.memory_space<semaphore_mem>>) src(%dma_wait3A_590 : memref<1048576x32xf32, #tpu.memory_space<hbm>>) dst(%dma_wait3A_584 : memref<1280x32xf32, #tpu.memory_space<vmem>>)
    %mul3A_591 = arith.constant 10240 : i32
    %mul3A_592 = arith.muli %add3A, %mul3A_591 : i32
    %add3A_593 = arith.constant 3840 : i32
    %add3A_594 = arith.addi %mul3A_592, %add3A_593 : i32
    %dma_start3A_595 = arith.constant 1 : i32
    %dma_start3A_596 = arith.constant 0 : i32
    %dma_start3A_597 = arith.constant 0 : i32
    %dma_start3A_598 = tpu.memref_slice %arg8[%dma_start3A_595, %dma_start3A_596, %dma_start3A_597] : memref<2x1280x32xf32, #tpu.memory_space<vmem>> -> memref<1x1280x32xf32, #tpu.memory_space<vmem>>
    %dma_start3A_599 = tpu.memref_squeeze %dma_start3A_598 : memref<1x1280x32xf32, #tpu.memory_space<vmem>> -> memref<1280x32xf32, #tpu.memory_space<vmem>>
    %dma_start3A_600 = arith.constant 0 : i32
    %dma_start3A_601 = tpu.memref_slice %arg5[%add3A_594, %dma_start3A_600] : memref<327680x128xf32, #tpu.memory_space<hbm>> -> memref<1280x32xf32, #tpu.memory_space<hbm>>
    %dma_start3A_602 = arith.constant 0 : i32
    %dma_start3A_603 = tpu.memref_slice %arg5[%add3A_594, %dma_start3A_602] : memref<327680x128xf32, #tpu.memory_space<hbm>> -> memref<1280x32xf32, #tpu.memory_space<hbm>>
    %dma_start3A_604 = arith.constant 0 : i32
    %dma_start3A_605 = arith.constant 0 : i32
    %dma_start3A_606 = tpu.memref_slice %arg8[%dma_start3A_595, %dma_start3A_604, %dma_start3A_605] : memref<2x1280x32xf32, #tpu.memory_space<vmem>> -> memref<1x1280x32xf32, #tpu.memory_space<vmem>>
    %dma_start3A_607 = tpu.memref_squeeze %dma_start3A_606 : memref<1x1280x32xf32, #tpu.memory_space<vmem>> -> memref<1280x32xf32, #tpu.memory_space<vmem>>
    tpu.enqueue_dma source(%dma_start3A_607 : memref<1280x32xf32, #tpu.memory_space<vmem>>) target(%dma_start3A_603 : memref<1280x32xf32, #tpu.memory_space<hbm>>) target_semaphore(%arg14 : memref<!tpu.dma_semaphore, #tpu.memory_space<semaphore_mem>>)
    %dma_wait3A_608 = arith.constant 1 : i32
    %dma_wait3A_609 = arith.constant 0 : i32
    %dma_wait3A_610 = arith.constant 0 : i32
    %dma_wait3A_611 = tpu.memref_slice %arg8[%dma_wait3A_608, %dma_wait3A_609, %dma_wait3A_610] : memref<2x1280x32xf32, #tpu.memory_space<vmem>> -> memref<1x1280x32xf32, #tpu.memory_space<vmem>>
    %dma_wait3A_612 = tpu.memref_squeeze %dma_wait3A_611 : memref<1x1280x32xf32, #tpu.memory_space<vmem>> -> memref<1280x32xf32, #tpu.memory_space<vmem>>
    %dma_wait3A_613 = arith.constant 0 : i32
    %dma_wait3A_614 = tpu.memref_slice %arg5[%add3A_594, %dma_wait3A_613] : memref<327680x128xf32, #tpu.memory_space<hbm>> -> memref<1280x32xf32, #tpu.memory_space<hbm>>
    %dma_wait3A_615 = arith.constant 0 : i32
    %dma_wait3A_616 = tpu.memref_slice %arg5[%add3A_594, %dma_wait3A_615] : memref<327680x128xf32, #tpu.memory_space<hbm>> -> memref<1280x32xf32, #tpu.memory_space<hbm>>
    %dma_wait3A_617 = arith.constant 0 : i32
    %dma_wait3A_618 = arith.constant 0 : i32
    %dma_wait3A_619 = tpu.memref_slice %arg8[%dma_wait3A_608, %dma_wait3A_617, %dma_wait3A_618] : memref<2x1280x32xf32, #tpu.memory_space<vmem>> -> memref<1x1280x32xf32, #tpu.memory_space<vmem>>
    %dma_wait3A_620 = tpu.memref_squeeze %dma_wait3A_619 : memref<1x1280x32xf32, #tpu.memory_space<vmem>> -> memref<1280x32xf32, #tpu.memory_space<vmem>>
    tpu.wait_dma2 semaphore(%arg14 : memref<!tpu.dma_semaphore, #tpu.memory_space<semaphore_mem>>) src(%dma_wait3A_620 : memref<1280x32xf32, #tpu.memory_space<vmem>>) dst(%dma_wait3A_616 : memref<1280x32xf32, #tpu.memory_space<hbm>>)
    %run_scoped3A_621 = arith.constant 5 : i32
    %run_scoped3A_622 = arith.constant 1 : i32
    "tpu.region"() ({
      %run_scoped3A_852 = tpu.sem_alloc : memref<!tpu.dma_semaphore, #tpu.memory_space<semaphore_mem>>
      %dma_start3A_853 = arith.constant 0 : i32
      %dma_start3A_854 = tpu.memref_slice %arg7[%run_scoped3A_622, %dma_start3A_853] : memref<2x1280xi32, #tpu.memory_space<vmem>> -> memref<1x1280xi32, #tpu.memory_space<vmem>>
      %dma_start3A_855 = tpu.memref_squeeze %dma_start3A_854 : memref<1x1280xi32, #tpu.memory_space<vmem>> -> memref<1280xi32, #tpu.memory_space<vmem>>
      %dma_start3A_856 = arith.constant 0 : i32
      %dma_start3A_857 = tpu.memref_slice %arg2[%add3A, %run_scoped3A_621, %dma_start3A_856] : memref<32x8x1280xi32, #tpu.memory_space<hbm>> -> memref<1x1x1280xi32, #tpu.memory_space<hbm>>
      %dma_start3A_858 = tpu.memref_squeeze %dma_start3A_857 : memref<1x1x1280xi32, #tpu.memory_space<hbm>> -> memref<1280xi32, #tpu.memory_space<hbm>>
      %dma_start3A_859 = arith.constant 0 : i32
      %dma_start3A_860 = tpu.memref_slice %arg7[%run_scoped3A_622, %dma_start3A_859] : memref<2x1280xi32, #tpu.memory_space<vmem>> -> memref<1x1280xi32, #tpu.memory_space<vmem>>
      %dma_start3A_861 = tpu.memref_squeeze %dma_start3A_860 : memref<1x1280xi32, #tpu.memory_space<vmem>> -> memref<1280xi32, #tpu.memory_space<vmem>>
      %dma_start3A_862 = arith.constant 0 : i32
      %dma_start3A_863 = tpu.memref_slice %arg2[%add3A, %run_scoped3A_621, %dma_start3A_862] : memref<32x8x1280xi32, #tpu.memory_space<hbm>> -> memref<1x1x1280xi32, #tpu.memory_space<hbm>>
      %dma_start3A_864 = tpu.memref_squeeze %dma_start3A_863 : memref<1x1x1280xi32, #tpu.memory_space<hbm>> -> memref<1280xi32, #tpu.memory_space<hbm>>
      tpu.enqueue_dma source(%dma_start3A_864 : memref<1280xi32, #tpu.memory_space<hbm>>) target(%dma_start3A_861 : memref<1280xi32, #tpu.memory_space<vmem>>) target_semaphore(%run_scoped3A_852 : memref<!tpu.dma_semaphore, #tpu.memory_space<semaphore_mem>>)
      %dma_wait3A_865 = arith.constant 0 : i32
      %dma_wait3A_866 = tpu.memref_slice %arg7[%run_scoped3A_622, %dma_wait3A_865] : memref<2x1280xi32, #tpu.memory_space<vmem>> -> memref<1x1280xi32, #tpu.memory_space<vmem>>
      %dma_wait3A_867 = tpu.memref_squeeze %dma_wait3A_866 : memref<1x1280xi32, #tpu.memory_space<vmem>> -> memref<1280xi32, #tpu.memory_space<vmem>>
      %dma_wait3A_868 = arith.constant 0 : i32
      %dma_wait3A_869 = tpu.memref_slice %arg2[%add3A, %run_scoped3A_621, %dma_wait3A_868] : memref<32x8x1280xi32, #tpu.memory_space<hbm>> -> memref<1x1x1280xi32, #tpu.memory_space<hbm>>
      %dma_wait3A_870 = tpu.memref_squeeze %dma_wait3A_869 : memref<1x1x1280xi32, #tpu.memory_space<hbm>> -> memref<1280xi32, #tpu.memory_space<hbm>>
      %dma_wait3A_871 = arith.constant 0 : i32
      %dma_wait3A_872 = tpu.memref_slice %arg7[%run_scoped3A_622, %dma_wait3A_871] : memref<2x1280xi32, #tpu.memory_space<vmem>> -> memref<1x1280xi32, #tpu.memory_space<vmem>>
      %dma_wait3A_873 = tpu.memref_squeeze %dma_wait3A_872 : memref<1x1280xi32, #tpu.memory_space<vmem>> -> memref<1280xi32, #tpu.memory_space<vmem>>
      %dma_wait3A_874 = arith.constant 0 : i32
      %dma_wait3A_875 = tpu.memref_slice %arg2[%add3A, %run_scoped3A_621, %dma_wait3A_874] : memref<32x8x1280xi32, #tpu.memory_space<hbm>> -> memref<1x1x1280xi32, #tpu.memory_space<hbm>>
      %dma_wait3A_876 = tpu.memref_squeeze %dma_wait3A_875 : memref<1x1x1280xi32, #tpu.memory_space<hbm>> -> memref<1280xi32, #tpu.memory_space<hbm>>
      tpu.wait_dma2 semaphore(%run_scoped3A_852 : memref<!tpu.dma_semaphore, #tpu.memory_space<semaphore_mem>>) src(%dma_wait3A_876 : memref<1280xi32, #tpu.memory_space<hbm>>) dst(%dma_wait3A_873 : memref<1280xi32, #tpu.memory_space<vmem>>)
      tpu.yield
    }) : () -> ()
    %scan3A_623 = arith.constant 0 : i32
    %scan3A_624 = arith.constant 0 : i32
    %scan3A_625 = arith.constant 80 : i32
    %scan3A_626 = arith.addi %scan3A_624, %scan3A_625 : i32
    %scan3A_627 = arith.constant 1 : i32
    %scan3A_628 = scf.for %scan3A_852 = %scan3A_624 to %scan3A_626 step %scan3A_627 iter_args(%scan3A_853 = %scan3A_623) -> (i32)  : i32 {
      %mul3A_854 = arith.constant 16 : i32
      %mul3A_855 = arith.muli %scan3A_852, %mul3A_854 : i32
      %get3A_856 = arith.constant 1 : i32
      %get3A_857 = arith.index_cast %get3A_856 : i32 to index
      %get3A_858 = arith.index_cast %mul3A_855 : i32 to index
      %get3A_859 = tpu.vector_load %arg7[%get3A_857, %get3A_858] {strides = array<i32>} : memref<2x1280xi32, #tpu.memory_space<vmem>>, vector<1x16xi32>,
      %get3A_860 = vector.shape_cast %get3A_859 : vector<1x16xi32> to vector<16xi32>
      %shift_right_arithmetic3A = arith.constant 16 : i32
      %shift_right_arithmetic3A_861 = vector.broadcast %shift_right_arithmetic3A : i32 to vector<16xi32>
      %shift_right_arithmetic3A_862 = arith.shrsi %get3A_860, %shift_right_arithmetic3A_861 : vector<16xi32>
      %shift_left3A = arith.constant 16 : i32
      %shift_left3A_863 = vector.broadcast %shift_left3A : i32 to vector<16xi32>
      %shift_left3A_864 = arith.shli %shift_right_arithmetic3A_862, %shift_left3A_863 : vector<16xi32>
      %and3A = arith.constant 16383 : i32
      %and3A_865 = vector.broadcast %and3A : i32 to vector<16xi32>
      %and3A_866 = arith.andi %get3A_860, %and3A_865 : vector<16xi32>
      %shift_left3A_867 = arith.constant 2 : i32
      %shift_left3A_868 = vector.broadcast %shift_left3A_867 : i32 to vector<16xi32>
      %shift_left3A_869 = arith.shli %and3A_866, %shift_left3A_868 : vector<16xi32>
      %add3A_870 = arith.addi %shift_left3A_864, %shift_left3A_869 : vector<16xi32>
      %shift_right_arithmetic3A_871 = arith.constant 14 : i32
      %shift_right_arithmetic3A_872 = vector.broadcast %shift_right_arithmetic3A_871 : i32 to vector<16xi32>
      %shift_right_arithmetic3A_873 = arith.shrsi %get3A_860, %shift_right_arithmetic3A_872 : vector<16xi32>
      %and3A_874 = arith.constant 3 : i32
      %and3A_875 = vector.broadcast %and3A_874 : i32 to vector<16xi32>
      %and3A_876 = arith.andi %shift_right_arithmetic3A_873, %and3A_875 : vector<16xi32>
      %add3A_877 = arith.addi %add3A_870, %and3A_876 : vector<16xi32>
      %mul3A_878 = arith.constant 16 : i32
      %mul3A_879 = arith.muli %scan3A_852, %mul3A_878 : i32
      %swap3A_880 = arith.constant 1 : i32
      %swap3A_881 = arith.index_cast %swap3A_880 : i32 to index
      %swap3A_882 = arith.index_cast %mul3A_879 : i32 to index
      %swap3A_883 = tpu.vector_load %arg7[%swap3A_881, %swap3A_882] {strides = array<i32>} : memref<2x1280xi32, #tpu.memory_space<vmem>>, vector<1x16xi32>,
      %swap3A_884 = vector.shape_cast %swap3A_883 : vector<1x16xi32> to vector<16xi32>
      %swap3A_885 = vector.shape_cast %add3A_877 : vector<16xi32> to vector<1x16xi32>
      tpu.vector_store %arg7[%swap3A_881, %swap3A_882], %swap3A_885 {strides = array<i32>} : memref<2x1280xi32, #tpu.memory_space<vmem>>, vector<1x16xi32>,
      %scan3A_886 = arith.constant 0 : i32
      scf.yield %scan3A_886 : i32
    }
    %scan3A_629 = arith.constant 80 : i32
    %dma_start3A_630 = arith.constant 1 : i32
    %dma_start3A_631 = arith.constant 1 : i32
    %dma_start3A_632 = arith.constant 0 : i32
    %dma_start3A_633 = arith.constant 0 : i32
    %dma_start3A_634 = tpu.memref_slice %arg8[%dma_start3A_631, %dma_start3A_632, %dma_start3A_633] : memref<2x1280x32xf32, #tpu.memory_space<vmem>> -> memref<1x1280x32xf32, #tpu.memory_space<vmem>>
    %dma_start3A_635 = tpu.memref_squeeze %dma_start3A_634 : memref<1x1280x32xf32, #tpu.memory_space<vmem>> -> memref<1280x32xf32, #tpu.memory_space<vmem>>
    %dma_start3A_636 = arith.constant 0 : i32
    %dma_start3A_637 = tpu.memref_slice %arg7[%dma_start3A_630, %dma_start3A_636] : memref<2x1280xi32, #tpu.memory_space<vmem>> -> memref<1x1280xi32, #tpu.memory_space<vmem>>
    %dma_start3A_638 = tpu.memref_squeeze %dma_start3A_637 : memref<1x1280xi32, #tpu.memory_space<vmem>> -> memref<1280xi32, #tpu.memory_space<vmem>>
    %dma_start3A_639 = arith.constant 0 : i32
    %dma_start3A_640 = arith.constant 0 : i32
    %dma_start3A_641 = tpu.memref_slice %arg4[%dma_start3A_639, %dma_start3A_640] : memref<1048576x32xf32, #tpu.memory_space<hbm>> -> memref<1048576x32xf32, #tpu.memory_space<hbm>>
    tpu.enqueue_indirect_dma source(%dma_start3A_641 : memref<1048576x32xf32, #tpu.memory_space<hbm>>) target(%dma_start3A_635 : memref<1280x32xf32, #tpu.memory_space<vmem>>) offsets(%dma_start3A_638 : memref<1280xi32, #tpu.memory_space<vmem>>) semaphore(%arg12 : memref<!tpu.dma_semaphore, #tpu.memory_space<semaphore_mem>>)
    %dma_wait3A_642 = arith.constant 0 : i32
    %dma_wait3A_643 = arith.constant 0 : i32
    %dma_wait3A_644 = arith.constant 0 : i32
    %dma_wait3A_645 = arith.constant 0 : i32
    %dma_wait3A_646 = tpu.memref_slice %arg8[%dma_wait3A_643, %dma_wait3A_644, %dma_wait3A_645] : memref<2x1280x32xf32, #tpu.memory_space<vmem>> -> memref<1x1280x32xf32, #tpu.memory_space<vmem>>
    %dma_wait3A_647 = tpu.memref_squeeze %dma_wait3A_646 : memref<1x1280x32xf32, #tpu.memory_space<vmem>> -> memref<1280x32xf32, #tpu.memory_space<vmem>>
    %dma_wait3A_648 = arith.constant 0 : i32
    %dma_wait3A_649 = tpu.memref_slice %arg7[%dma_wait3A_642, %dma_wait3A_648] : memref<2x1280xi32, #tpu.memory_space<vmem>> -> memref<1x1280xi32, #tpu.memory_space<vmem>>
    %dma_wait3A_650 = tpu.memref_squeeze %dma_wait3A_649 : memref<1x1280xi32, #tpu.memory_space<vmem>> -> memref<1280xi32, #tpu.memory_space<vmem>>
    %dma_wait3A_651 = arith.constant 0 : i32
    %dma_wait3A_652 = arith.constant 0 : i32
    %dma_wait3A_653 = tpu.memref_slice %arg4[%dma_wait3A_651, %dma_wait3A_652] : memref<1048576x32xf32, #tpu.memory_space<hbm>> -> memref<1048576x32xf32, #tpu.memory_space<hbm>>
    tpu.wait_indirect_dma semaphore(%arg11 : memref<!tpu.dma_semaphore, #tpu.memory_space<semaphore_mem>>) src(%dma_wait3A_653 : memref<1048576x32xf32, #tpu.memory_space<hbm>>) dst(%dma_wait3A_647 : memref<1280x32xf32, #tpu.memory_space<vmem>>)
    %mul3A_654 = arith.constant 10240 : i32
    %mul3A_655 = arith.muli %add3A, %mul3A_654 : i32
    %add3A_656 = arith.constant 5120 : i32
    %add3A_657 = arith.addi %mul3A_655, %add3A_656 : i32
    %dma_start3A_658 = arith.constant 0 : i32
    %dma_start3A_659 = arith.constant 0 : i32
    %dma_start3A_660 = arith.constant 0 : i32
    %dma_start3A_661 = tpu.memref_slice %arg8[%dma_start3A_658, %dma_start3A_659, %dma_start3A_660] : memref<2x1280x32xf32, #tpu.memory_space<vmem>> -> memref<1x1280x32xf32, #tpu.memory_space<vmem>>
    %dma_start3A_662 = tpu.memref_squeeze %dma_start3A_661 : memref<1x1280x32xf32, #tpu.memory_space<vmem>> -> memref<1280x32xf32, #tpu.memory_space<vmem>>
    %dma_start3A_663 = arith.constant 0 : i32
    %dma_start3A_664 = tpu.memref_slice %arg5[%add3A_657, %dma_start3A_663] : memref<327680x128xf32, #tpu.memory_space<hbm>> -> memref<1280x32xf32, #tpu.memory_space<hbm>>
    %dma_start3A_665 = arith.constant 0 : i32
    %dma_start3A_666 = tpu.memref_slice %arg5[%add3A_657, %dma_start3A_665] : memref<327680x128xf32, #tpu.memory_space<hbm>> -> memref<1280x32xf32, #tpu.memory_space<hbm>>
    %dma_start3A_667 = arith.constant 0 : i32
    %dma_start3A_668 = arith.constant 0 : i32
    %dma_start3A_669 = tpu.memref_slice %arg8[%dma_start3A_658, %dma_start3A_667, %dma_start3A_668] : memref<2x1280x32xf32, #tpu.memory_space<vmem>> -> memref<1x1280x32xf32, #tpu.memory_space<vmem>>
    %dma_start3A_670 = tpu.memref_squeeze %dma_start3A_669 : memref<1x1280x32xf32, #tpu.memory_space<vmem>> -> memref<1280x32xf32, #tpu.memory_space<vmem>>
    tpu.enqueue_dma source(%dma_start3A_670 : memref<1280x32xf32, #tpu.memory_space<vmem>>) target(%dma_start3A_666 : memref<1280x32xf32, #tpu.memory_space<hbm>>) target_semaphore(%arg13 : memref<!tpu.dma_semaphore, #tpu.memory_space<semaphore_mem>>)
    %dma_wait3A_671 = arith.constant 0 : i32
    %dma_wait3A_672 = arith.constant 0 : i32
    %dma_wait3A_673 = arith.constant 0 : i32
    %dma_wait3A_674 = tpu.memref_slice %arg8[%dma_wait3A_671, %dma_wait3A_672, %dma_wait3A_673] : memref<2x1280x32xf32, #tpu.memory_space<vmem>> -> memref<1x1280x32xf32, #tpu.memory_space<vmem>>
    %dma_wait3A_675 = tpu.memref_squeeze %dma_wait3A_674 : memref<1x1280x32xf32, #tpu.memory_space<vmem>> -> memref<1280x32xf32, #tpu.memory_space<vmem>>
    %dma_wait3A_676 = arith.constant 0 : i32
    %dma_wait3A_677 = tpu.memref_slice %arg5[%add3A_657, %dma_wait3A_676] : memref<327680x128xf32, #tpu.memory_space<hbm>> -> memref<1280x32xf32, #tpu.memory_space<hbm>>
    %dma_wait3A_678 = arith.constant 0 : i32
    %dma_wait3A_679 = tpu.memref_slice %arg5[%add3A_657, %dma_wait3A_678] : memref<327680x128xf32, #tpu.memory_space<hbm>> -> memref<1280x32xf32, #tpu.memory_space<hbm>>
    %dma_wait3A_680 = arith.constant 0 : i32
    %dma_wait3A_681 = arith.constant 0 : i32
    %dma_wait3A_682 = tpu.memref_slice %arg8[%dma_wait3A_671, %dma_wait3A_680, %dma_wait3A_681] : memref<2x1280x32xf32, #tpu.memory_space<vmem>> -> memref<1x1280x32xf32, #tpu.memory_space<vmem>>
    %dma_wait3A_683 = tpu.memref_squeeze %dma_wait3A_682 : memref<1x1280x32xf32, #tpu.memory_space<vmem>> -> memref<1280x32xf32, #tpu.memory_space<vmem>>
    tpu.wait_dma2 semaphore(%arg13 : memref<!tpu.dma_semaphore, #tpu.memory_space<semaphore_mem>>) src(%dma_wait3A_683 : memref<1280x32xf32, #tpu.memory_space<vmem>>) dst(%dma_wait3A_679 : memref<1280x32xf32, #tpu.memory_space<hbm>>)
    %run_scoped3A_684 = arith.constant 6 : i32
    %run_scoped3A_685 = arith.constant 0 : i32
    "tpu.region"() ({
      %run_scoped3A_852 = tpu.sem_alloc : memref<!tpu.dma_semaphore, #tpu.memory_space<semaphore_mem>>
      %dma_start3A_853 = arith.constant 0 : i32
      %dma_start3A_854 = tpu.memref_slice %arg7[%run_scoped3A_685, %dma_start3A_853] : memref<2x1280xi32, #tpu.memory_space<vmem>> -> memref<1x1280xi32, #tpu.memory_space<vmem>>
      %dma_start3A_855 = tpu.memref_squeeze %dma_start3A_854 : memref<1x1280xi32, #tpu.memory_space<vmem>> -> memref<1280xi32, #tpu.memory_space<vmem>>
      %dma_start3A_856 = arith.constant 0 : i32
      %dma_start3A_857 = tpu.memref_slice %arg2[%add3A, %run_scoped3A_684, %dma_start3A_856] : memref<32x8x1280xi32, #tpu.memory_space<hbm>> -> memref<1x1x1280xi32, #tpu.memory_space<hbm>>
      %dma_start3A_858 = tpu.memref_squeeze %dma_start3A_857 : memref<1x1x1280xi32, #tpu.memory_space<hbm>> -> memref<1280xi32, #tpu.memory_space<hbm>>
      %dma_start3A_859 = arith.constant 0 : i32
      %dma_start3A_860 = tpu.memref_slice %arg7[%run_scoped3A_685, %dma_start3A_859] : memref<2x1280xi32, #tpu.memory_space<vmem>> -> memref<1x1280xi32, #tpu.memory_space<vmem>>
      %dma_start3A_861 = tpu.memref_squeeze %dma_start3A_860 : memref<1x1280xi32, #tpu.memory_space<vmem>> -> memref<1280xi32, #tpu.memory_space<vmem>>
      %dma_start3A_862 = arith.constant 0 : i32
      %dma_start3A_863 = tpu.memref_slice %arg2[%add3A, %run_scoped3A_684, %dma_start3A_862] : memref<32x8x1280xi32, #tpu.memory_space<hbm>> -> memref<1x1x1280xi32, #tpu.memory_space<hbm>>
      %dma_start3A_864 = tpu.memref_squeeze %dma_start3A_863 : memref<1x1x1280xi32, #tpu.memory_space<hbm>> -> memref<1280xi32, #tpu.memory_space<hbm>>
      tpu.enqueue_dma source(%dma_start3A_864 : memref<1280xi32, #tpu.memory_space<hbm>>) target(%dma_start3A_861 : memref<1280xi32, #tpu.memory_space<vmem>>) target_semaphore(%run_scoped3A_852 : memref<!tpu.dma_semaphore, #tpu.memory_space<semaphore_mem>>)
      %dma_wait3A_865 = arith.constant 0 : i32
      %dma_wait3A_866 = tpu.memref_slice %arg7[%run_scoped3A_685, %dma_wait3A_865] : memref<2x1280xi32, #tpu.memory_space<vmem>> -> memref<1x1280xi32, #tpu.memory_space<vmem>>
      %dma_wait3A_867 = tpu.memref_squeeze %dma_wait3A_866 : memref<1x1280xi32, #tpu.memory_space<vmem>> -> memref<1280xi32, #tpu.memory_space<vmem>>
      %dma_wait3A_868 = arith.constant 0 : i32
      %dma_wait3A_869 = tpu.memref_slice %arg2[%add3A, %run_scoped3A_684, %dma_wait3A_868] : memref<32x8x1280xi32, #tpu.memory_space<hbm>> -> memref<1x1x1280xi32, #tpu.memory_space<hbm>>
      %dma_wait3A_870 = tpu.memref_squeeze %dma_wait3A_869 : memref<1x1x1280xi32, #tpu.memory_space<hbm>> -> memref<1280xi32, #tpu.memory_space<hbm>>
      %dma_wait3A_871 = arith.constant 0 : i32
      %dma_wait3A_872 = tpu.memref_slice %arg7[%run_scoped3A_685, %dma_wait3A_871] : memref<2x1280xi32, #tpu.memory_space<vmem>> -> memref<1x1280xi32, #tpu.memory_space<vmem>>
      %dma_wait3A_873 = tpu.memref_squeeze %dma_wait3A_872 : memref<1x1280xi32, #tpu.memory_space<vmem>> -> memref<1280xi32, #tpu.memory_space<vmem>>
      %dma_wait3A_874 = arith.constant 0 : i32
      %dma_wait3A_875 = tpu.memref_slice %arg2[%add3A, %run_scoped3A_684, %dma_wait3A_874] : memref<32x8x1280xi32, #tpu.memory_space<hbm>> -> memref<1x1x1280xi32, #tpu.memory_space<hbm>>
      %dma_wait3A_876 = tpu.memref_squeeze %dma_wait3A_875 : memref<1x1x1280xi32, #tpu.memory_space<hbm>> -> memref<1280xi32, #tpu.memory_space<hbm>>
      tpu.wait_dma2 semaphore(%run_scoped3A_852 : memref<!tpu.dma_semaphore, #tpu.memory_space<semaphore_mem>>) src(%dma_wait3A_876 : memref<1280xi32, #tpu.memory_space<hbm>>) dst(%dma_wait3A_873 : memref<1280xi32, #tpu.memory_space<vmem>>)
      tpu.yield
    }) : () -> ()
    %scan3A_686 = arith.constant 0 : i32
    %scan3A_687 = arith.constant 0 : i32
    %scan3A_688 = arith.constant 80 : i32
    %scan3A_689 = arith.addi %scan3A_687, %scan3A_688 : i32
    %scan3A_690 = arith.constant 1 : i32
    %scan3A_691 = scf.for %scan3A_852 = %scan3A_687 to %scan3A_689 step %scan3A_690 iter_args(%scan3A_853 = %scan3A_686) -> (i32)  : i32 {
      %mul3A_854 = arith.constant 16 : i32
      %mul3A_855 = arith.muli %scan3A_852, %mul3A_854 : i32
      %get3A_856 = arith.constant 0 : i32
      %get3A_857 = arith.index_cast %get3A_856 : i32 to index
      %get3A_858 = arith.index_cast %mul3A_855 : i32 to index
      %get3A_859 = tpu.vector_load %arg7[%get3A_857, %get3A_858] {strides = array<i32>} : memref<2x1280xi32, #tpu.memory_space<vmem>>, vector<1x16xi32>,
      %get3A_860 = vector.shape_cast %get3A_859 : vector<1x16xi32> to vector<16xi32>
      %shift_right_arithmetic3A = arith.constant 16 : i32
      %shift_right_arithmetic3A_861 = vector.broadcast %shift_right_arithmetic3A : i32 to vector<16xi32>
      %shift_right_arithmetic3A_862 = arith.shrsi %get3A_860, %shift_right_arithmetic3A_861 : vector<16xi32>
      %shift_left3A = arith.constant 16 : i32
      %shift_left3A_863 = vector.broadcast %shift_left3A : i32 to vector<16xi32>
      %shift_left3A_864 = arith.shli %shift_right_arithmetic3A_862, %shift_left3A_863 : vector<16xi32>
      %and3A = arith.constant 16383 : i32
      %and3A_865 = vector.broadcast %and3A : i32 to vector<16xi32>
      %and3A_866 = arith.andi %get3A_860, %and3A_865 : vector<16xi32>
      %shift_left3A_867 = arith.constant 2 : i32
      %shift_left3A_868 = vector.broadcast %shift_left3A_867 : i32 to vector<16xi32>
      %shift_left3A_869 = arith.shli %and3A_866, %shift_left3A_868 : vector<16xi32>
      %add3A_870 = arith.addi %shift_left3A_864, %shift_left3A_869 : vector<16xi32>
      %shift_right_arithmetic3A_871 = arith.constant 14 : i32
      %shift_right_arithmetic3A_872 = vector.broadcast %shift_right_arithmetic3A_871 : i32 to vector<16xi32>
      %shift_right_arithmetic3A_873 = arith.shrsi %get3A_860, %shift_right_arithmetic3A_872 : vector<16xi32>
      %and3A_874 = arith.constant 3 : i32
      %and3A_875 = vector.broadcast %and3A_874 : i32 to vector<16xi32>
      %and3A_876 = arith.andi %shift_right_arithmetic3A_873, %and3A_875 : vector<16xi32>
      %add3A_877 = arith.addi %add3A_870, %and3A_876 : vector<16xi32>
      %mul3A_878 = arith.constant 16 : i32
      %mul3A_879 = arith.muli %scan3A_852, %mul3A_878 : i32
      %swap3A_880 = arith.constant 0 : i32
      %swap3A_881 = arith.index_cast %swap3A_880 : i32 to index
      %swap3A_882 = arith.index_cast %mul3A_879 : i32 to index
      %swap3A_883 = tpu.vector_load %arg7[%swap3A_881, %swap3A_882] {strides = array<i32>} : memref<2x1280xi32, #tpu.memory_space<vmem>>, vector<1x16xi32>,
      %swap3A_884 = vector.shape_cast %swap3A_883 : vector<1x16xi32> to vector<16xi32>
      %swap3A_885 = vector.shape_cast %add3A_877 : vector<16xi32> to vector<1x16xi32>
      tpu.vector_store %arg7[%swap3A_881, %swap3A_882], %swap3A_885 {strides = array<i32>} : memref<2x1280xi32, #tpu.memory_space<vmem>>, vector<1x16xi32>,
      %scan3A_886 = arith.constant 0 : i32
      scf.yield %scan3A_886 : i32
    }
    %scan3A_692 = arith.constant 80 : i32
    %dma_start3A_693 = arith.constant 0 : i32
    %dma_start3A_694 = arith.constant 0 : i32
    %dma_start3A_695 = arith.constant 0 : i32
    %dma_start3A_696 = arith.constant 0 : i32
    %dma_start3A_697 = tpu.memref_slice %arg8[%dma_start3A_694, %dma_start3A_695, %dma_start3A_696] : memref<2x1280x32xf32, #tpu.memory_space<vmem>> -> memref<1x1280x32xf32, #tpu.memory_space<vmem>>
    %dma_start3A_698 = tpu.memref_squeeze %dma_start3A_697 : memref<1x1280x32xf32, #tpu.memory_space<vmem>> -> memref<1280x32xf32, #tpu.memory_space<vmem>>
    %dma_start3A_699 = arith.constant 0 : i32
    %dma_start3A_700 = tpu.memref_slice %arg7[%dma_start3A_693, %dma_start3A_699] : memref<2x1280xi32, #tpu.memory_space<vmem>> -> memref<1x1280xi32, #tpu.memory_space<vmem>>
    %dma_start3A_701 = tpu.memref_squeeze %dma_start3A_700 : memref<1x1280xi32, #tpu.memory_space<vmem>> -> memref<1280xi32, #tpu.memory_space<vmem>>
    %dma_start3A_702 = arith.constant 0 : i32
    %dma_start3A_703 = arith.constant 0 : i32
    %dma_start3A_704 = tpu.memref_slice %arg4[%dma_start3A_702, %dma_start3A_703] : memref<1048576x32xf32, #tpu.memory_space<hbm>> -> memref<1048576x32xf32, #tpu.memory_space<hbm>>
    tpu.enqueue_indirect_dma source(%dma_start3A_704 : memref<1048576x32xf32, #tpu.memory_space<hbm>>) target(%dma_start3A_698 : memref<1280x32xf32, #tpu.memory_space<vmem>>) offsets(%dma_start3A_701 : memref<1280xi32, #tpu.memory_space<vmem>>) semaphore(%arg11 : memref<!tpu.dma_semaphore, #tpu.memory_space<semaphore_mem>>)
    %dma_wait3A_705 = arith.constant 1 : i32
    %dma_wait3A_706 = arith.constant 1 : i32
    %dma_wait3A_707 = arith.constant 0 : i32
    %dma_wait3A_708 = arith.constant 0 : i32
    %dma_wait3A_709 = tpu.memref_slice %arg8[%dma_wait3A_706, %dma_wait3A_707, %dma_wait3A_708] : memref<2x1280x32xf32, #tpu.memory_space<vmem>> -> memref<1x1280x32xf32, #tpu.memory_space<vmem>>
    %dma_wait3A_710 = tpu.memref_squeeze %dma_wait3A_709 : memref<1x1280x32xf32, #tpu.memory_space<vmem>> -> memref<1280x32xf32, #tpu.memory_space<vmem>>
    %dma_wait3A_711 = arith.constant 0 : i32
    %dma_wait3A_712 = tpu.memref_slice %arg7[%dma_wait3A_705, %dma_wait3A_711] : memref<2x1280xi32, #tpu.memory_space<vmem>> -> memref<1x1280xi32, #tpu.memory_space<vmem>>
    %dma_wait3A_713 = tpu.memref_squeeze %dma_wait3A_712 : memref<1x1280xi32, #tpu.memory_space<vmem>> -> memref<1280xi32, #tpu.memory_space<vmem>>
    %dma_wait3A_714 = arith.constant 0 : i32
    %dma_wait3A_715 = arith.constant 0 : i32
    %dma_wait3A_716 = tpu.memref_slice %arg4[%dma_wait3A_714, %dma_wait3A_715] : memref<1048576x32xf32, #tpu.memory_space<hbm>> -> memref<1048576x32xf32, #tpu.memory_space<hbm>>
    tpu.wait_indirect_dma semaphore(%arg12 : memref<!tpu.dma_semaphore, #tpu.memory_space<semaphore_mem>>) src(%dma_wait3A_716 : memref<1048576x32xf32, #tpu.memory_space<hbm>>) dst(%dma_wait3A_710 : memref<1280x32xf32, #tpu.memory_space<vmem>>)
    %mul3A_717 = arith.constant 10240 : i32
    %mul3A_718 = arith.muli %add3A, %mul3A_717 : i32
    %add3A_719 = arith.constant 6400 : i32
    %add3A_720 = arith.addi %mul3A_718, %add3A_719 : i32
    %dma_start3A_721 = arith.constant 1 : i32
    %dma_start3A_722 = arith.constant 0 : i32
    %dma_start3A_723 = arith.constant 0 : i32
    %dma_start3A_724 = tpu.memref_slice %arg8[%dma_start3A_721, %dma_start3A_722, %dma_start3A_723] : memref<2x1280x32xf32, #tpu.memory_space<vmem>> -> memref<1x1280x32xf32, #tpu.memory_space<vmem>>
    %dma_start3A_725 = tpu.memref_squeeze %dma_start3A_724 : memref<1x1280x32xf32, #tpu.memory_space<vmem>> -> memref<1280x32xf32, #tpu.memory_space<vmem>>
    %dma_start3A_726 = arith.constant 0 : i32
    %dma_start3A_727 = tpu.memref_slice %arg5[%add3A_720, %dma_start3A_726] : memref<327680x128xf32, #tpu.memory_space<hbm>> -> memref<1280x32xf32, #tpu.memory_space<hbm>>
    %dma_start3A_728 = arith.constant 0 : i32
    %dma_start3A_729 = tpu.memref_slice %arg5[%add3A_720, %dma_start3A_728] : memref<327680x128xf32, #tpu.memory_space<hbm>> -> memref<1280x32xf32, #tpu.memory_space<hbm>>
    %dma_start3A_730 = arith.constant 0 : i32
    %dma_start3A_731 = arith.constant 0 : i32
    %dma_start3A_732 = tpu.memref_slice %arg8[%dma_start3A_721, %dma_start3A_730, %dma_start3A_731] : memref<2x1280x32xf32, #tpu.memory_space<vmem>> -> memref<1x1280x32xf32, #tpu.memory_space<vmem>>
    %dma_start3A_733 = tpu.memref_squeeze %dma_start3A_732 : memref<1x1280x32xf32, #tpu.memory_space<vmem>> -> memref<1280x32xf32, #tpu.memory_space<vmem>>
    tpu.enqueue_dma source(%dma_start3A_733 : memref<1280x32xf32, #tpu.memory_space<vmem>>) target(%dma_start3A_729 : memref<1280x32xf32, #tpu.memory_space<hbm>>) target_semaphore(%arg14 : memref<!tpu.dma_semaphore, #tpu.memory_space<semaphore_mem>>)
    %dma_wait3A_734 = arith.constant 1 : i32
    %dma_wait3A_735 = arith.constant 0 : i32
    %dma_wait3A_736 = arith.constant 0 : i32
    %dma_wait3A_737 = tpu.memref_slice %arg8[%dma_wait3A_734, %dma_wait3A_735, %dma_wait3A_736] : memref<2x1280x32xf32, #tpu.memory_space<vmem>> -> memref<1x1280x32xf32, #tpu.memory_space<vmem>>
    %dma_wait3A_738 = tpu.memref_squeeze %dma_wait3A_737 : memref<1x1280x32xf32, #tpu.memory_space<vmem>> -> memref<1280x32xf32, #tpu.memory_space<vmem>>
    %dma_wait3A_739 = arith.constant 0 : i32
    %dma_wait3A_740 = tpu.memref_slice %arg5[%add3A_720, %dma_wait3A_739] : memref<327680x128xf32, #tpu.memory_space<hbm>> -> memref<1280x32xf32, #tpu.memory_space<hbm>>
    %dma_wait3A_741 = arith.constant 0 : i32
    %dma_wait3A_742 = tpu.memref_slice %arg5[%add3A_720, %dma_wait3A_741] : memref<327680x128xf32, #tpu.memory_space<hbm>> -> memref<1280x32xf32, #tpu.memory_space<hbm>>
    %dma_wait3A_743 = arith.constant 0 : i32
    %dma_wait3A_744 = arith.constant 0 : i32
    %dma_wait3A_745 = tpu.memref_slice %arg8[%dma_wait3A_734, %dma_wait3A_743, %dma_wait3A_744] : memref<2x1280x32xf32, #tpu.memory_space<vmem>> -> memref<1x1280x32xf32, #tpu.memory_space<vmem>>
    %dma_wait3A_746 = tpu.memref_squeeze %dma_wait3A_745 : memref<1x1280x32xf32, #tpu.memory_space<vmem>> -> memref<1280x32xf32, #tpu.memory_space<vmem>>
    tpu.wait_dma2 semaphore(%arg14 : memref<!tpu.dma_semaphore, #tpu.memory_space<semaphore_mem>>) src(%dma_wait3A_746 : memref<1280x32xf32, #tpu.memory_space<vmem>>) dst(%dma_wait3A_742 : memref<1280x32xf32, #tpu.memory_space<hbm>>)
    %run_scoped3A_747 = arith.constant 7 : i32
    %run_scoped3A_748 = arith.constant 1 : i32
    "tpu.region"() ({
      %run_scoped3A_852 = tpu.sem_alloc : memref<!tpu.dma_semaphore, #tpu.memory_space<semaphore_mem>>
      %dma_start3A_853 = arith.constant 0 : i32
      %dma_start3A_854 = tpu.memref_slice %arg7[%run_scoped3A_748, %dma_start3A_853] : memref<2x1280xi32, #tpu.memory_space<vmem>> -> memref<1x1280xi32, #tpu.memory_space<vmem>>
      %dma_start3A_855 = tpu.memref_squeeze %dma_start3A_854 : memref<1x1280xi32, #tpu.memory_space<vmem>> -> memref<1280xi32, #tpu.memory_space<vmem>>
      %dma_start3A_856 = arith.constant 0 : i32
      %dma_start3A_857 = tpu.memref_slice %arg2[%add3A, %run_scoped3A_747, %dma_start3A_856] : memref<32x8x1280xi32, #tpu.memory_space<hbm>> -> memref<1x1x1280xi32, #tpu.memory_space<hbm>>
      %dma_start3A_858 = tpu.memref_squeeze %dma_start3A_857 : memref<1x1x1280xi32, #tpu.memory_space<hbm>> -> memref<1280xi32, #tpu.memory_space<hbm>>
      %dma_start3A_859 = arith.constant 0 : i32
      %dma_start3A_860 = tpu.memref_slice %arg7[%run_scoped3A_748, %dma_start3A_859] : memref<2x1280xi32, #tpu.memory_space<vmem>> -> memref<1x1280xi32, #tpu.memory_space<vmem>>
      %dma_start3A_861 = tpu.memref_squeeze %dma_start3A_860 : memref<1x1280xi32, #tpu.memory_space<vmem>> -> memref<1280xi32, #tpu.memory_space<vmem>>
      %dma_start3A_862 = arith.constant 0 : i32
      %dma_start3A_863 = tpu.memref_slice %arg2[%add3A, %run_scoped3A_747, %dma_start3A_862] : memref<32x8x1280xi32, #tpu.memory_space<hbm>> -> memref<1x1x1280xi32, #tpu.memory_space<hbm>>
      %dma_start3A_864 = tpu.memref_squeeze %dma_start3A_863 : memref<1x1x1280xi32, #tpu.memory_space<hbm>> -> memref<1280xi32, #tpu.memory_space<hbm>>
      tpu.enqueue_dma source(%dma_start3A_864 : memref<1280xi32, #tpu.memory_space<hbm>>) target(%dma_start3A_861 : memref<1280xi32, #tpu.memory_space<vmem>>) target_semaphore(%run_scoped3A_852 : memref<!tpu.dma_semaphore, #tpu.memory_space<semaphore_mem>>)
      %dma_wait3A_865 = arith.constant 0 : i32
      %dma_wait3A_866 = tpu.memref_slice %arg7[%run_scoped3A_748, %dma_wait3A_865] : memref<2x1280xi32, #tpu.memory_space<vmem>> -> memref<1x1280xi32, #tpu.memory_space<vmem>>
      %dma_wait3A_867 = tpu.memref_squeeze %dma_wait3A_866 : memref<1x1280xi32, #tpu.memory_space<vmem>> -> memref<1280xi32, #tpu.memory_space<vmem>>
      %dma_wait3A_868 = arith.constant 0 : i32
      %dma_wait3A_869 = tpu.memref_slice %arg2[%add3A, %run_scoped3A_747, %dma_wait3A_868] : memref<32x8x1280xi32, #tpu.memory_space<hbm>> -> memref<1x1x1280xi32, #tpu.memory_space<hbm>>
      %dma_wait3A_870 = tpu.memref_squeeze %dma_wait3A_869 : memref<1x1x1280xi32, #tpu.memory_space<hbm>> -> memref<1280xi32, #tpu.memory_space<hbm>>
      %dma_wait3A_871 = arith.constant 0 : i32
      %dma_wait3A_872 = tpu.memref_slice %arg7[%run_scoped3A_748, %dma_wait3A_871] : memref<2x1280xi32, #tpu.memory_space<vmem>> -> memref<1x1280xi32, #tpu.memory_space<vmem>>
      %dma_wait3A_873 = tpu.memref_squeeze %dma_wait3A_872 : memref<1x1280xi32, #tpu.memory_space<vmem>> -> memref<1280xi32, #tpu.memory_space<vmem>>
      %dma_wait3A_874 = arith.constant 0 : i32
      %dma_wait3A_875 = tpu.memref_slice %arg2[%add3A, %run_scoped3A_747, %dma_wait3A_874] : memref<32x8x1280xi32, #tpu.memory_space<hbm>> -> memref<1x1x1280xi32, #tpu.memory_space<hbm>>
      %dma_wait3A_876 = tpu.memref_squeeze %dma_wait3A_875 : memref<1x1x1280xi32, #tpu.memory_space<hbm>> -> memref<1280xi32, #tpu.memory_space<hbm>>
      tpu.wait_dma2 semaphore(%run_scoped3A_852 : memref<!tpu.dma_semaphore, #tpu.memory_space<semaphore_mem>>) src(%dma_wait3A_876 : memref<1280xi32, #tpu.memory_space<hbm>>) dst(%dma_wait3A_873 : memref<1280xi32, #tpu.memory_space<vmem>>)
      tpu.yield
    }) : () -> ()
    %scan3A_749 = arith.constant 0 : i32
    %scan3A_750 = arith.constant 0 : i32
    %scan3A_751 = arith.constant 80 : i32
    %scan3A_752 = arith.addi %scan3A_750, %scan3A_751 : i32
    %scan3A_753 = arith.constant 1 : i32
    %scan3A_754 = scf.for %scan3A_852 = %scan3A_750 to %scan3A_752 step %scan3A_753 iter_args(%scan3A_853 = %scan3A_749) -> (i32)  : i32 {
      %mul3A_854 = arith.constant 16 : i32
      %mul3A_855 = arith.muli %scan3A_852, %mul3A_854 : i32
      %get3A_856 = arith.constant 1 : i32
      %get3A_857 = arith.index_cast %get3A_856 : i32 to index
      %get3A_858 = arith.index_cast %mul3A_855 : i32 to index
      %get3A_859 = tpu.vector_load %arg7[%get3A_857, %get3A_858] {strides = array<i32>} : memref<2x1280xi32, #tpu.memory_space<vmem>>, vector<1x16xi32>,
      %get3A_860 = vector.shape_cast %get3A_859 : vector<1x16xi32> to vector<16xi32>
      %shift_right_arithmetic3A = arith.constant 16 : i32
      %shift_right_arithmetic3A_861 = vector.broadcast %shift_right_arithmetic3A : i32 to vector<16xi32>
      %shift_right_arithmetic3A_862 = arith.shrsi %get3A_860, %shift_right_arithmetic3A_861 : vector<16xi32>
      %shift_left3A = arith.constant 16 : i32
      %shift_left3A_863 = vector.broadcast %shift_left3A : i32 to vector<16xi32>
      %shift_left3A_864 = arith.shli %shift_right_arithmetic3A_862, %shift_left3A_863 : vector<16xi32>
      %and3A = arith.constant 16383 : i32
      %and3A_865 = vector.broadcast %and3A : i32 to vector<16xi32>
      %and3A_866 = arith.andi %get3A_860, %and3A_865 : vector<16xi32>
      %shift_left3A_867 = arith.constant 2 : i32
      %shift_left3A_868 = vector.broadcast %shift_left3A_867 : i32 to vector<16xi32>
      %shift_left3A_869 = arith.shli %and3A_866, %shift_left3A_868 : vector<16xi32>
      %add3A_870 = arith.addi %shift_left3A_864, %shift_left3A_869 : vector<16xi32>
      %shift_right_arithmetic3A_871 = arith.constant 14 : i32
      %shift_right_arithmetic3A_872 = vector.broadcast %shift_right_arithmetic3A_871 : i32 to vector<16xi32>
      %shift_right_arithmetic3A_873 = arith.shrsi %get3A_860, %shift_right_arithmetic3A_872 : vector<16xi32>
      %and3A_874 = arith.constant 3 : i32
      %and3A_875 = vector.broadcast %and3A_874 : i32 to vector<16xi32>
      %and3A_876 = arith.andi %shift_right_arithmetic3A_873, %and3A_875 : vector<16xi32>
      %add3A_877 = arith.addi %add3A_870, %and3A_876 : vector<16xi32>
      %mul3A_878 = arith.constant 16 : i32
      %mul3A_879 = arith.muli %scan3A_852, %mul3A_878 : i32
      %swap3A_880 = arith.constant 1 : i32
      %swap3A_881 = arith.index_cast %swap3A_880 : i32 to index
      %swap3A_882 = arith.index_cast %mul3A_879 : i32 to index
      %swap3A_883 = tpu.vector_load %arg7[%swap3A_881, %swap3A_882] {strides = array<i32>} : memref<2x1280xi32, #tpu.memory_space<vmem>>, vector<1x16xi32>,
      %swap3A_884 = vector.shape_cast %swap3A_883 : vector<1x16xi32> to vector<16xi32>
      %swap3A_885 = vector.shape_cast %add3A_877 : vector<16xi32> to vector<1x16xi32>
      tpu.vector_store %arg7[%swap3A_881, %swap3A_882], %swap3A_885 {strides = array<i32>} : memref<2x1280xi32, #tpu.memory_space<vmem>>, vector<1x16xi32>,
      %scan3A_886 = arith.constant 0 : i32
      scf.yield %scan3A_886 : i32
    }
    %scan3A_755 = arith.constant 80 : i32
    %dma_start3A_756 = arith.constant 1 : i32
    %dma_start3A_757 = arith.constant 1 : i32
    %dma_start3A_758 = arith.constant 0 : i32
    %dma_start3A_759 = arith.constant 0 : i32
    %dma_start3A_760 = tpu.memref_slice %arg8[%dma_start3A_757, %dma_start3A_758, %dma_start3A_759] : memref<2x1280x32xf32, #tpu.memory_space<vmem>> -> memref<1x1280x32xf32, #tpu.memory_space<vmem>>
    %dma_start3A_761 = tpu.memref_squeeze %dma_start3A_760 : memref<1x1280x32xf32, #tpu.memory_space<vmem>> -> memref<1280x32xf32, #tpu.memory_space<vmem>>
    %dma_start3A_762 = arith.constant 0 : i32
    %dma_start3A_763 = tpu.memref_slice %arg7[%dma_start3A_756, %dma_start3A_762] : memref<2x1280xi32, #tpu.memory_space<vmem>> -> memref<1x1280xi32, #tpu.memory_space<vmem>>
    %dma_start3A_764 = tpu.memref_squeeze %dma_start3A_763 : memref<1x1280xi32, #tpu.memory_space<vmem>> -> memref<1280xi32, #tpu.memory_space<vmem>>
    %dma_start3A_765 = arith.constant 0 : i32
    %dma_start3A_766 = arith.constant 0 : i32
    %dma_start3A_767 = tpu.memref_slice %arg4[%dma_start3A_765, %dma_start3A_766] : memref<1048576x32xf32, #tpu.memory_space<hbm>> -> memref<1048576x32xf32, #tpu.memory_space<hbm>>
    tpu.enqueue_indirect_dma source(%dma_start3A_767 : memref<1048576x32xf32, #tpu.memory_space<hbm>>) target(%dma_start3A_761 : memref<1280x32xf32, #tpu.memory_space<vmem>>) offsets(%dma_start3A_764 : memref<1280xi32, #tpu.memory_space<vmem>>) semaphore(%arg12 : memref<!tpu.dma_semaphore, #tpu.memory_space<semaphore_mem>>)
    %dma_wait3A_768 = arith.constant 0 : i32
    %dma_wait3A_769 = arith.constant 0 : i32
    %dma_wait3A_770 = arith.constant 0 : i32
    %dma_wait3A_771 = arith.constant 0 : i32
    %dma_wait3A_772 = tpu.memref_slice %arg8[%dma_wait3A_769, %dma_wait3A_770, %dma_wait3A_771] : memref<2x1280x32xf32, #tpu.memory_space<vmem>> -> memref<1x1280x32xf32, #tpu.memory_space<vmem>>
    %dma_wait3A_773 = tpu.memref_squeeze %dma_wait3A_772 : memref<1x1280x32xf32, #tpu.memory_space<vmem>> -> memref<1280x32xf32, #tpu.memory_space<vmem>>
    %dma_wait3A_774 = arith.constant 0 : i32
    %dma_wait3A_775 = tpu.memref_slice %arg7[%dma_wait3A_768, %dma_wait3A_774] : memref<2x1280xi32, #tpu.memory_space<vmem>> -> memref<1x1280xi32, #tpu.memory_space<vmem>>
    %dma_wait3A_776 = tpu.memref_squeeze %dma_wait3A_775 : memref<1x1280xi32, #tpu.memory_space<vmem>> -> memref<1280xi32, #tpu.memory_space<vmem>>
    %dma_wait3A_777 = arith.constant 0 : i32
    %dma_wait3A_778 = arith.constant 0 : i32
    %dma_wait3A_779 = tpu.memref_slice %arg4[%dma_wait3A_777, %dma_wait3A_778] : memref<1048576x32xf32, #tpu.memory_space<hbm>> -> memref<1048576x32xf32, #tpu.memory_space<hbm>>
    tpu.wait_indirect_dma semaphore(%arg11 : memref<!tpu.dma_semaphore, #tpu.memory_space<semaphore_mem>>) src(%dma_wait3A_779 : memref<1048576x32xf32, #tpu.memory_space<hbm>>) dst(%dma_wait3A_773 : memref<1280x32xf32, #tpu.memory_space<vmem>>)
    %mul3A_780 = arith.constant 10240 : i32
    %mul3A_781 = arith.muli %add3A, %mul3A_780 : i32
    %add3A_782 = arith.constant 7680 : i32
    %add3A_783 = arith.addi %mul3A_781, %add3A_782 : i32
    %dma_start3A_784 = arith.constant 0 : i32
    %dma_start3A_785 = arith.constant 0 : i32
    %dma_start3A_786 = arith.constant 0 : i32
    %dma_start3A_787 = tpu.memref_slice %arg8[%dma_start3A_784, %dma_start3A_785, %dma_start3A_786] : memref<2x1280x32xf32, #tpu.memory_space<vmem>> -> memref<1x1280x32xf32, #tpu.memory_space<vmem>>
    %dma_start3A_788 = tpu.memref_squeeze %dma_start3A_787 : memref<1x1280x32xf32, #tpu.memory_space<vmem>> -> memref<1280x32xf32, #tpu.memory_space<vmem>>
    %dma_start3A_789 = arith.constant 0 : i32
    %dma_start3A_790 = tpu.memref_slice %arg5[%add3A_783, %dma_start3A_789] : memref<327680x128xf32, #tpu.memory_space<hbm>> -> memref<1280x32xf32, #tpu.memory_space<hbm>>
    %dma_start3A_791 = arith.constant 0 : i32
    %dma_start3A_792 = tpu.memref_slice %arg5[%add3A_783, %dma_start3A_791] : memref<327680x128xf32, #tpu.memory_space<hbm>> -> memref<1280x32xf32, #tpu.memory_space<hbm>>
    %dma_start3A_793 = arith.constant 0 : i32
    %dma_start3A_794 = arith.constant 0 : i32
    %dma_start3A_795 = tpu.memref_slice %arg8[%dma_start3A_784, %dma_start3A_793, %dma_start3A_794] : memref<2x1280x32xf32, #tpu.memory_space<vmem>> -> memref<1x1280x32xf32, #tpu.memory_space<vmem>>
    %dma_start3A_796 = tpu.memref_squeeze %dma_start3A_795 : memref<1x1280x32xf32, #tpu.memory_space<vmem>> -> memref<1280x32xf32, #tpu.memory_space<vmem>>
    tpu.enqueue_dma source(%dma_start3A_796 : memref<1280x32xf32, #tpu.memory_space<vmem>>) target(%dma_start3A_792 : memref<1280x32xf32, #tpu.memory_space<hbm>>) target_semaphore(%arg13 : memref<!tpu.dma_semaphore, #tpu.memory_space<semaphore_mem>>)
    %dma_wait3A_797 = arith.constant 1 : i32
    %dma_wait3A_798 = arith.constant 1 : i32
    %dma_wait3A_799 = arith.constant 0 : i32
    %dma_wait3A_800 = arith.constant 0 : i32
    %dma_wait3A_801 = tpu.memref_slice %arg8[%dma_wait3A_798, %dma_wait3A_799, %dma_wait3A_800] : memref<2x1280x32xf32, #tpu.memory_space<vmem>> -> memref<1x1280x32xf32, #tpu.memory_space<vmem>>
    %dma_wait3A_802 = tpu.memref_squeeze %dma_wait3A_801 : memref<1x1280x32xf32, #tpu.memory_space<vmem>> -> memref<1280x32xf32, #tpu.memory_space<vmem>>
    %dma_wait3A_803 = arith.constant 0 : i32
    %dma_wait3A_804 = tpu.memref_slice %arg7[%dma_wait3A_797, %dma_wait3A_803] : memref<2x1280xi32, #tpu.memory_space<vmem>> -> memref<1x1280xi32, #tpu.memory_space<vmem>>
    %dma_wait3A_805 = tpu.memref_squeeze %dma_wait3A_804 : memref<1x1280xi32, #tpu.memory_space<vmem>> -> memref<1280xi32, #tpu.memory_space<vmem>>
    %dma_wait3A_806 = arith.constant 0 : i32
    %dma_wait3A_807 = arith.constant 0 : i32
    %dma_wait3A_808 = tpu.memref_slice %arg4[%dma_wait3A_806, %dma_wait3A_807] : memref<1048576x32xf32, #tpu.memory_space<hbm>> -> memref<1048576x32xf32, #tpu.memory_space<hbm>>
    tpu.wait_indirect_dma semaphore(%arg12 : memref<!tpu.dma_semaphore, #tpu.memory_space<semaphore_mem>>) src(%dma_wait3A_808 : memref<1048576x32xf32, #tpu.memory_space<hbm>>) dst(%dma_wait3A_802 : memref<1280x32xf32, #tpu.memory_space<vmem>>)
    %mul3A_809 = arith.constant 10240 : i32
    %mul3A_810 = arith.muli %add3A, %mul3A_809 : i32
    %add3A_811 = arith.constant 8960 : i32
    %add3A_812 = arith.addi %mul3A_810, %add3A_811 : i32
    %dma_start3A_813 = arith.constant 1 : i32
    %dma_start3A_814 = arith.constant 0 : i32
    %dma_start3A_815 = arith.constant 0 : i32
    %dma_start3A_816 = tpu.memref_slice %arg8[%dma_start3A_813, %dma_start3A_814, %dma_start3A_815] : memref<2x1280x32xf32, #tpu.memory_space<vmem>> -> memref<1x1280x32xf32, #tpu.memory_space<vmem>>
    %dma_start3A_817 = tpu.memref_squeeze %dma_start3A_816 : memref<1x1280x32xf32, #tpu.memory_space<vmem>> -> memref<1280x32xf32, #tpu.memory_space<vmem>>
    %dma_start3A_818 = arith.constant 0 : i32
    %dma_start3A_819 = tpu.memref_slice %arg5[%add3A_812, %dma_start3A_818] : memref<327680x128xf32, #tpu.memory_space<hbm>> -> memref<1280x32xf32, #tpu.memory_space<hbm>>
    %dma_start3A_820 = arith.constant 0 : i32
    %dma_start3A_821 = tpu.memref_slice %arg5[%add3A_812, %dma_start3A_820] : memref<327680x128xf32, #tpu.memory_space<hbm>> -> memref<1280x32xf32, #tpu.memory_space<hbm>>
    %dma_start3A_822 = arith.constant 0 : i32
    %dma_start3A_823 = arith.constant 0 : i32
    %dma_start3A_824 = tpu.memref_slice %arg8[%dma_start3A_813, %dma_start3A_822, %dma_start3A_823] : memref<2x1280x32xf32, #tpu.memory_space<vmem>> -> memref<1x1280x32xf32, #tpu.memory_space<vmem>>
    %dma_start3A_825 = tpu.memref_squeeze %dma_start3A_824 : memref<1x1280x32xf32, #tpu.memory_space<vmem>> -> memref<1280x32xf32, #tpu.memory_space<vmem>>
    tpu.enqueue_dma source(%dma_start3A_825 : memref<1280x32xf32, #tpu.memory_space<vmem>>) target(%dma_start3A_821 : memref<1280x32xf32, #tpu.memory_space<hbm>>) target_semaphore(%arg14 : memref<!tpu.dma_semaphore, #tpu.memory_space<semaphore_mem>>)
    %dma_wait3A_826 = arith.constant 0 : i32
    %dma_wait3A_827 = arith.constant 0 : i32
    %dma_wait3A_828 = arith.constant 0 : i32
    %dma_wait3A_829 = tpu.memref_slice %arg8[%dma_wait3A_826, %dma_wait3A_827, %dma_wait3A_828] : memref<2x1280x32xf32, #tpu.memory_space<vmem>> -> memref<1x1280x32xf32, #tpu.memory_space<vmem>>
    %dma_wait3A_830 = tpu.memref_squeeze %dma_wait3A_829 : memref<1x1280x32xf32, #tpu.memory_space<vmem>> -> memref<1280x32xf32, #tpu.memory_space<vmem>>
    %dma_wait3A_831 = arith.constant 0 : i32
    %dma_wait3A_832 = tpu.memref_slice %arg5[%add3A_783, %dma_wait3A_831] : memref<327680x128xf32, #tpu.memory_space<hbm>> -> memref<1280x32xf32, #tpu.memory_space<hbm>>
    %dma_wait3A_833 = arith.constant 0 : i32
    %dma_wait3A_834 = tpu.memref_slice %arg5[%add3A_783, %dma_wait3A_833] : memref<327680x128xf32, #tpu.memory_space<hbm>> -> memref<1280x32xf32, #tpu.memory_space<hbm>>
    %dma_wait3A_835 = arith.constant 0 : i32
    %dma_wait3A_836 = arith.constant 0 : i32
    %dma_wait3A_837 = tpu.memref_slice %arg8[%dma_wait3A_826, %dma_wait3A_835, %dma_wait3A_836] : memref<2x1280x32xf32, #tpu.memory_space<vmem>> -> memref<1x1280x32xf32, #tpu.memory_space<vmem>>
    %dma_wait3A_838 = tpu.memref_squeeze %dma_wait3A_837 : memref<1x1280x32xf32, #tpu.memory_space<vmem>> -> memref<1280x32xf32, #tpu.memory_space<vmem>>
    tpu.wait_dma2 semaphore(%arg13 : memref<!tpu.dma_semaphore, #tpu.memory_space<semaphore_mem>>) src(%dma_wait3A_838 : memref<1280x32xf32, #tpu.memory_space<vmem>>) dst(%dma_wait3A_834 : memref<1280x32xf32, #tpu.memory_space<hbm>>)
    %dma_wait3A_839 = arith.constant 1 : i32
    %dma_wait3A_840 = arith.constant 0 : i32
    %dma_wait3A_841 = arith.constant 0 : i32
    %dma_wait3A_842 = tpu.memref_slice %arg8[%dma_wait3A_839, %dma_wait3A_840, %dma_wait3A_841] : memref<2x1280x32xf32, #tpu.memory_space<vmem>> -> memref<1x1280x32xf32, #tpu.memory_space<vmem>>
    %dma_wait3A_843 = tpu.memref_squeeze %dma_wait3A_842 : memref<1x1280x32xf32, #tpu.memory_space<vmem>> -> memref<1280x32xf32, #tpu.memory_space<vmem>>
    %dma_wait3A_844 = arith.constant 0 : i32
    %dma_wait3A_845 = tpu.memref_slice %arg5[%add3A_812, %dma_wait3A_844] : memref<327680x128xf32, #tpu.memory_space<hbm>> -> memref<1280x32xf32, #tpu.memory_space<hbm>>
    %dma_wait3A_846 = arith.constant 0 : i32
    %dma_wait3A_847 = tpu.memref_slice %arg5[%add3A_812, %dma_wait3A_846] : memref<327680x128xf32, #tpu.memory_space<hbm>> -> memref<1280x32xf32, #tpu.memory_space<hbm>>
    %dma_wait3A_848 = arith.constant 0 : i32
    %dma_wait3A_849 = arith.constant 0 : i32
    %dma_wait3A_850 = tpu.memref_slice %arg8[%dma_wait3A_839, %dma_wait3A_848, %dma_wait3A_849] : memref<2x1280x32xf32, #tpu.memory_space<vmem>> -> memref<1x1280x32xf32, #tpu.memory_space<vmem>>
    %dma_wait3A_851 = tpu.memref_squeeze %dma_wait3A_850 : memref<1x1280x32xf32, #tpu.memory_space<vmem>> -> memref<1280x32xf32, #tpu.memory_space<vmem>>
    tpu.wait_dma2 semaphore(%arg14 : memref<!tpu.dma_semaphore, #tpu.memory_space<semaphore_mem>>) src(%dma_wait3A_851 : memref<1280x32xf32, #tpu.memory_space<vmem>>) dst(%dma_wait3A_847 : memref<1280x32xf32, #tpu.memory_space<hbm>>)
    return
  }
}

module attributes {stable_mosaic.version = 14 : i64} {
  func.func @_transpose_block(%arg0: i32, %arg1: memref<32x65536xf32, #tpu.memory_space<vmem>>, %arg2: memref<16384x128xf32, #tpu.memory_space<vmem>>) attributes {dimension_semantics = [#tpu.dimension_semantics<arbitrary>], iteration_bounds = array<i64: 16>, scalar_prefetch = 0 : i64, scratch_operands = 0 : i64, tpu.core_type = #tpu.core_type<tc>, window_params = [{transform_indices = @transform_0, window_bounds = array<i64: 32, 65536>}, {transform_indices = @transform_1, window_bounds = array<i64: 16384, 128>}]} {
    %get3A = arith.constant 0 : index
    %get3A_0 = arith.constant 0 : index
    %get3A_1 = vector.load %arg1[%get3A, %get3A_0] : memref<32x65536xf32, #tpu.memory_space<vmem>>, vector<32x65536xf32>
    %slice3A = vector.extract_strided_slice %get3A_1 {offsets = [0, 0], sizes = [32, 16384], strides = [1, 1]} : vector<32x65536xf32> to vector<32x16384xf32>
    %slice3A_2 = vector.extract_strided_slice %get3A_1 {offsets = [0, 16384], sizes = [32, 16384], strides = [1, 1]} : vector<32x65536xf32> to vector<32x16384xf32>
    %slice3A_3 = vector.extract_strided_slice %get3A_1 {offsets = [0, 32768], sizes = [32, 16384], strides = [1, 1]} : vector<32x65536xf32> to vector<32x16384xf32>
    %slice3A_4 = vector.extract_strided_slice %get3A_1 {offsets = [0, 49152], sizes = [32, 16384], strides = [1, 1]} : vector<32x65536xf32> to vector<32x16384xf32>
    %concatenate3A = tpu.concatenate %slice3A, %slice3A_2, %slice3A_3, %slice3A_4 in 0 : vector<32x16384xf32>, vector<32x16384xf32>, vector<32x16384xf32>, vector<32x16384xf32> -> vector<128x16384xf32>
    %transpose3A = tpu.transpose %concatenate3A, [1, 0] : vector<128x16384xf32> -> vector<16384x128xf32>
    %swap3A = arith.constant 0 : index
    %swap3A_5 = arith.constant 0 : index
    %swap3A_6 = vector.load %arg2[%swap3A, %swap3A_5] : memref<16384x128xf32, #tpu.memory_space<vmem>>, vector<16384x128xf32>
    tpu.vector_store %arg2[%swap3A, %swap3A_5], %transpose3A {strides = array<i32>} : memref<16384x128xf32, #tpu.memory_space<vmem>>, vector<16384x128xf32>,
    return
  }
  func.func @transform_0(%arg0: i32) -> (i32, i32) {
    %c0_i32 = arith.constant 0 : i32
    %c0_i32_0 = arith.constant 0 : i32
    return %c0_i32, %arg0 : i32, i32
  }
  func.func @transform_1(%arg0: i32) -> (i32, i32) {
    %c0_i32 = arith.constant 0 : i32
    %c0_i32_0 = arith.constant 0 : i32
    return %arg0, %c0_i32 : i32, i32
  }
}

</mosaic_0001>

<sc_bundles>
// kernel: kernel.4.cloned.1.call-start
scs
__scs_entry_jumppad:
0x0: {  	(pc) =	sbr.rel $0x88, $3  }
0x1: {  	(tag) =	ssettag $0x0;
	lr =	simm.s32 $0x1  }
0x2: {  	[smem:$0x3F9E] =	sst lr;
	_ =	strace $0xD0000000  }
0x3: {  	_ = 	snop  }
0x4: {  	_ = 	snop  }
0x5: {  	_ = 	snop  }
0x6: {  	_ = 	snop  }
0x7: {  	_ = 	snop  }
__scs_overlays_trampoline_lowered:
0x8: {  	[smem:$0x3FAD] =	sst s0  }
0x9: {  	[smem:$0x3FAE] =	sst s1  }
0xa: {  	[smem:$0x3FAF] =	sst s2  }
0xb: {  	[smem:$0x3FB0] =	sst s3  }
0xc: {  	[smem:$0x3FB1] =	sst s4  }
0xd: {  	[smem:$0x3FB2] =	sst s5  }
0xe: {  	[smem:$0x3FB3] =	sst s6  }
0xf: {  	[smem:$0x3FB4] =	sst s7  }
0x10: {  	[smem:$0x3FB5] =	sst s8  }
0x11: {  	[smem:$0x3FB6] =	sst s9;
	s0 =	simm.s32 @!p0 $0x0  }
0x12: {  	s1 =	sld [smem:$0x3F9C];
	s0 =	simm.s32 @p0 $0x1  }
0x13: {  	[smem:$0x3FB7] =	sst s0;
	s0 =	simm.s32 @!p1 $0x0  }
0x14: {  	s2 =	sld [smem:$0x3F9B];
	s0 =	simm.s32 @p1 $0x1  }
0x15: {  	[smem:$0x3FB8] =	sst s0;
	s0 =	simm.s32 @!p2 $0x0  }
0x16: {  	s3 =	sld [smem:$0x3FDB];
	s0 =	simm.s32 @p2 $0x1  }
0x17: {  	s4 =	simm.s32 $0x1BF5;
	[smem:$0x3FBA] =	sst s0  }
0x18: {  	s0 =	sld [smem:$0x3F9D];
	_ =	swait.ge [sflag:s4], $0x0  }
0x19: {  	s7 =	sld [smem:$0x3F9E]  }
0x1a: {  	s8 =	sadd.s32 $0xFFFFE003, lr  }
0x1b: {  	s9 =	sadd.s32 $0xFFFFFEF7, lr;
	s5 =	simm.s32 $0xFFFFFFFF;
	p2 =	slt.u32 s8, $0xFFFFF086  }
0x1c: {  	p1 =	slt.u32 s9, $0xF7A;
	s5 =	simm.s32 @!p2 $0x0  }
0x1d: {  	s5 =	simm.s32 @p1 $0x1;
	p0 =	seq.s32 s7, s2  }
0x1e: {  	s7 =	smul.u32 @!p0 $0xF7A, s2;
	p2 =	seq.s32 @!p0 s5, $0x0  }
0x1f: {  	s9 =	smul.u32 $0xF7A, s1;
	s8 =	simm.s32 @!p0 $0x1BF5;
	p2 =	por !p2, p0  }
0x20: {  	[sflag:s8] =	ssyncset.s32 @!p0 $0xFFFFF086;
	s6 =	sadd.s32 @!p0 s3, s7;
	s7 =	simm.s32 @!p0 $0x108  }
0x21: {  	s3 =	sadd.s32 s3, s9;
	s6 =	sadd.s32 @!p0 $0x88, s6;
	s7 =	simm.s32 @p2 $0x1082  }
0x22: {  	[simem:s7], [sflag:s8] =	dma.local @!p0 [hbm:s6], $0xF7A  }
0x23: {  	s9 =	sor.u32 $0xD0000000, s2;
	s6 =	simm.s32 $0x108;
	_ =	swait.ge @!p0 [sflag:s8], $0x0  }
0x24: {  	s3 =	sadd.s32 $0x88, s3;
	s6 =	simm.s32 @!p1 $0x1082;
	[sflag:s4] =	ssyncset.s32 $0xFFFFF086  }
0x25: {  	[simem:s6], [sflag:s4] =	dma.local [hbm:s3], $0xF7A  }
0x26: {  	[smem:$0x3F9E] =	sst s1;
	(tag) =	ssettag s2;
	_ =	strace s9  }
0x27: {  	s1 =	sld [smem:$0x3FAE]  }
0x28: {  	s2 =	sld [smem:$0x3FAF]  }
0x29: {  	s4 =	sld [smem:$0x3FB1]  }
0x2a: {  	p0 =	seq.s32 s5, $0x0;
	s5 =	sld [smem:$0x3FB2]  }
0x2b: {  	s6 =	sld [smem:$0x3FB3]  }
0x2c: {  	s7 =	sld [smem:$0x3FB4]  }
0x2d: {  	s3 =	simm.s32 $0x108;
	s8 =	sld [smem:$0x3FB5]  }
0x2e: {  	s3 =	simm.s32 @!p0 $0x1082;
	s9 =	sld [smem:$0x3FB6]  }
0x2f: {  	lr =	sadd.s32 s0, s3;
	s0 =	sld [smem:$0x3FAD]  }
0x30: {  	s3 =	sld [smem:$0x3FB0]  }
0x31: {  	[smem:$0x3FB9] =	sst s10  }
0x32: {  	s10 =	sld [smem:$0x3FB7];
	_ =	sdelay $0x3  }
0x33: {  	p0 =	seq.s32 s10, $0x1;
	s10 =	sld [smem:$0x3FB9];
	_ =	sdelay $0x3  }
0x34: {  	[smem:$0x3FB9] =	sst s10  }
0x35: {  	s10 =	sld [smem:$0x3FB8];
	_ =	sdelay $0x3  }
0x36: {  	p1 =	seq.s32 s10, $0x1;
	s10 =	sld [smem:$0x3FB9];
	_ =	sdelay $0x3  }
0x37: {  	[smem:$0x3FB9] =	sst s10  }
0x38: {  	s10 =	sld [smem:$0x3FBA]  }
0x39: {  	_ = 	snop;
	(pc) =	sbr.ind lr, $3  }
0x3a: {  	_ = 	snop  }
0x3b: {  	_ = 	snop  }
0x3c: {  	p2 =	seq.s32 s10, $0x1;
	s10 =	sld [smem:$0x3FB9]  }
0x3d: {  	_ =	shalt  }
0x3e: {  	_ =	shalt  }
0x3f: {  	_ =	shalt  }
0x40: {  	_ =	shalt  }
0x41: {  	_ =	shalt  }
0x42: {  	_ =	shalt  }
0x43: {  	_ =	shalt  }
0x44: {  	_ =	shalt  }
0x45: {  	_ =	shalt  }
0x46: {  	_ =	shalt  }
0x47: {  	_ =	shalt  }
0x48: {  	_ =	shalt  }
0x49: {  	_ =	shalt  }
0x4a: {  	_ =	shalt  }
0x4b: {  	_ =	shalt  }
0x4c: {  	_ =	shalt  }
0x4d: {  	_ =	shalt  }
0x4e: {  	_ =	shalt  }
0x4f: {  	_ =	shalt  }
0x50: {  	_ =	shalt  }
0x51: {  	_ =	shalt  }
0x52: {  	_ =	shalt  }
0x53: {  	_ =	shalt  }
0x54: {  	_ =	shalt  }
0x55: {  	_ =	shalt  }
0x56: {  	_ =	shalt  }
0x57: {  	_ =	shalt  }
0x58: {  	_ =	shalt  }
0x59: {  	_ =	shalt  }
0x5a: {  	_ =	shalt  }
0x5b: {  	_ =	shalt  }
0x5c: {  	_ =	shalt  }
0x5d: {  	_ =	shalt  }
0x5e: {  	_ =	shalt  }
0x5f: {  	_ =	shalt  }
0x60: {  	_ =	shalt  }
0x61: {  	_ =	shalt  }
0x62: {  	_ =	shalt  }
0x63: {  	_ =	shalt  }
0x64: {  	_ =	shalt  }
0x65: {  	_ =	shalt  }
0x66: {  	_ =	shalt  }
0x67: {  	_ =	shalt  }
0x68: {  	_ =	shalt  }
0x69: {  	_ =	shalt  }
0x6a: {  	_ =	shalt  }
0x6b: {  	_ =	shalt  }
0x6c: {  	_ =	shalt  }
0x6d: {  	_ =	shalt  }
0x6e: {  	_ =	shalt  }
0x6f: {  	_ =	shalt  }
0x70: {  	_ =	shalt  }
0x71: {  	_ =	shalt  }
0x72: {  	_ =	shalt  }
0x73: {  	_ =	shalt  }
0x74: {  	_ =	shalt  }
0x75: {  	_ =	shalt  }
0x76: {  	_ =	shalt  }
0x77: {  	_ =	shalt  }
0x78: {  	_ =	shalt  }
0x79: {  	_ =	shalt  }
0x7a: {  	_ =	shalt  }
0x7b: {  	_ =	shalt  }
0x7c: {  	_ =	shalt  }
0x7d: {  	_ =	shalt  }
0x7e: {  	_ =	shalt  }
0x7f: {  	_ =	shalt  }
0x80: {  	_ =	shalt  }
0x81: {  	_ =	shalt  }
0x82: {  	_ =	shalt  }
0x83: {  	_ =	shalt  }
0x84: {  	_ =	shalt  }
0x85: {  	_ =	shalt  }
0x86: {  	_ =	shalt  }
0x87: {  	_ =	shalt  }
.Lfunc_end0:
.L_simem_size_0:
called_computation.1_lowered:
.L_overlay_start_0:
0x88: {  	s2 =	sld [smem:$0x3FD9]  }
0x89: {  	s3 =	sld [smem:$0x3FFE];
	_ =	sdelay $0x1  }
0x8a: {  	s1 =	srdreg.scid  }
0x8b: {  	s0 =	sand.u32 $0x1, s1  }
0x8c: {  	s14 =	sshll.u32 s0, $0xA;
	s2 =	sadd.s32 s3, s2  }
0x8d: {  	s2 =	sadd.s32 s2, s14  }
0x8e: {  	[smem:$0x3FC5] =	sst s2  }
0x8f: {  	_ = 	snop  }
0x90: {  	s2 =	sld [smem:$0x3FD0];
	_ =	sdelay $0x2  }
0x91: {  	s4 =	simm.s32 $0xA;
	s5 =	simm.s32 $0x10;
	s15 =	sld [smem:$0x3FC9]  }
0x92: {  	[smem:s5], [sflag:s4] =	dma.local [hbm:s2], $0x1  }
0x93: {  	_ =	swait.eq [sflag:s4], $0x1  }
0x94: {  	[sflag:s4] =	ssyncset.done $0x0  }
0x95: {  	s16 =	sld [smem:$0x10];
	[sflag:s4] =	ssyncadd.s32 $0xFFFFFFFF  }
0x96: {  	s17 =	sld [smem:$0x11];
	(tm) =	ssettm $0x1  }
0x97: {  	s18 =	sld [smem:$0x3FFB];
	_ =	sdelay $0x3  }
0x98: {  	_ =	strace s18  }
0x99: {  	s5 =	sld [smem:$0x3FFC];
	_ =	sdelay $0x3  }
0x9a: {  	_ =	strace s5  }
0x9b: {  	s5 =	sld [smem:$0x3FFD];
	_ =	sdelay $0x3  }
0x9c: {  	_ =	strace s5  }
0x9d: {  	_ =	strace $0x8FFFFFFF  }
0x9e: {  	s19 =	sld [smem:$0x3FDB];
	_ =	sdelay $0x1  }
0x9f: {  	s6 =	simm.s32 $_scs_section_size  }
0xa0: {  	s7 =	simm.s32 $_size__tile_overlayer_lowered;
	s8 =	simm.s32 $_tile_overlayer_lowered  }
0xa1: {  	s22 =	simm.s32 $0x1BFF;
	s21 =	sshll.u32 s8, $0x1;
	s5 =	sadd.s32 s6, s19  }
0xa2: {  	s9 =	simm.s32 $0x0;
	s20 =	sshll.u32 s7, $0x1;
	s7 =	sadd.s32 s21, s5  }
0xa3: {  	[timem:s9], [sflag:s22] =	dma.local [hbm:s7], s20  }
0xa4: {  	_ =	swait.ge [sflag:s22], s20  }
0xa5: {  	s6 =	ssub.s32 $0x0, s20;
	[sflag:s22] =	ssyncset.done $0x0  }
0xa6: {  	[sflag:s22] =	ssyncadd.s32 s6;
	_ =	sdelay $0x1  }
0xa7: {  	s23 =	simm.s32 $0x1B8B  }
0xa8: {  	_ =	swait.ge [sflag:s23], $0x1  }
0xa9: {  	[sflag:s23] =	ssyncset.done $0x0  }
0xaa: {  	s25 =	simm.s32 $0x1B8E;
	s24 =	sld [smem:$0x3FFE];
	[sflag:s23] =	ssyncadd.s32 $0xFFFFFFFF  }
0xab: {  	s26 =	simm.s32 $execute0_lowered;
	[smem:$0x3FD2] =	sst s25  }
0xac: {  	s7 =	sshll.u32 s26, $0x1;
	_ =	strace $0x80000046;
	[dreg:$0x1] =	wrdreg $0xFFFFFFFF  }
0xad: {  	s28 =	simm.s32 $_size_execute0_lowered;
	s5 =	sadd.s32 s5, s7;
	[dreg:$0x0] =	wrdreg $0x0  }
0xae: {  	s7 =	sshll.u32 s28, $0x1;
	[dreg:$0x2] =	wrdreg s5  }
0xaf: {  	[dreg:$0x3] =	wrdreg s7  }
0xb0: {  	[dreg:$0x4] =	wrdreg $0xC0  }
0xb1: {  	_ =	task [dreg:s9], $0x5FFFF  }
0xb2: {  	[dreg:$0x1] =	wrdreg $0xFFFFFFFF  }
0xb3: {  	[dreg:$0x0] =	wrdreg $0x60  }
0xb4: {  	[dreg:$0x2] =	wrdreg s15  }
0xb5: {  	[dreg:$0x3] =	wrdreg s16  }
0xb6: {  	[dreg:$0x4] =	wrdreg s24  }
0xb7: {  	[dreg:$0x5] =	wrdreg s17  }
0xb8: {  	[dreg:$0x6] =	wrdreg $0x9  }
0xb9: {  	_ =	task.clear_ibuf [dreg:s9], $0x7FFFF;
	_ =	strace $0x90000046  }
0xba: {  	s29 =	simm.s32 $0x9;
	_ =	strace $0x80000048  }
0xbb: {  	_ =	swait.ge [sflag:s29], $0x1  }
0xbc: {  	[sflag:s29] =	ssyncadd.s32 $0xFFFFFFFF  }
0xbd: {  	_ =	strace $0x90000048  }
0xbe: {  	_ =	sfence  }
0xbf: {  	s30 =	sld [smem:$0x0];
	_ =	sdelay $0x2  }
0xc0: {  	s31 =	sshll.u32 s1, $0xD;
	s1 =	sshrl.u32 s1, $0x2  }
0xc1: {  	s3 =	sand.u32 $0x4000, s31;
	s1 =	sadd.s32 s1, s30  }
0xc2: {  	s0 =	sor.u32 s3, s0;
	s1 =	sshll.u32 s1, $0x11  }
0xc3: {  	s0 =	sor.u32 s1, s0  }
0xc4: {  	s0 =	sadd.s32 $0x8F2B, s0  }
0xc5: {  	[sflag:s0] =	ssyncadd.remote.s32 $0x1  }
0xc6: {  	_ =	sfence.sel $0xFFFF  }
0xc7: {  	[dreg:$0x0] =	wrdreg $0xFFFFFFFF;
	(pc) =	sbr.abs _section_cstart, $3  }
0xc8: {  	[dreg:$0x1] =	wrdreg $0xFFFFFFFF  }
0xc9: {  	_ =	task.clear_ibuf [dreg:s9], $0x2FFFF;
	_ =	strace $0x9FFFFFFF  }
0xca: {  	(tm) =	ssettm $0x7FFFFFFF  }
0xcb: {  	_ =	shalt  }
tec
execute0_lowered:
.L_overlay_start_1:
0x0: {  	(tag) =	ssettag $0x1  }
0x1: {  	s0 =	rddreg [dreg:$0x0]  }
0x2: {  	s1 =	rddreg [dreg:$0x1]  }
0x3: {  	s2 =	rddreg [dreg:$0x2];
	s3 =	srdreg.scid  }
0x4: {  	s5 =	stileid.u32;
	s4 =	rddreg [dreg:$0x3]  }
0x5: {  	s6 =	simm.s32 $0x0;
	s29 =	simm.s32 $0xAA00;
	s30 =	simm.s32 $0x1  }
0x6: {  	s31 =	simm.s32 $0x20;
	s3 =	sand.u32 $0x1, s3;
	s5 =	sshll.u32 s5, $0x1  }
0x7: {  	s28 =	simm.s32 $0x0;
	[smem:$0x7FF] =	sst s6;
	s5 =	sor.u32 s3, s5  }
0x8: {  	_ =	strace $0x80000047;
	s13 =	ssub.s32 $0x2, s3;
	s3 =	sadd.s32 $0xE00, s2  }
0x9: {  	s2 =	sadd.s32 $0x400E00, s2;
	s18 =	smul.u32 $0x2800, s5;
	s15 =	sshll.u32 s5, $0x6  }
0xa: {  	s7 =	sshrl.u32 s13, $0x1;
	s5 =	smul.u32 $0x28000, s5;
	s1 =	sadd.s32 s1, s15  }
0xb: {  	s22 =	ssub.s32 s13, s7;
	s16 =	sadd.s32 s4, s15;
	[dreg:$0x6] =	wrdreg s1  }
0xc: {  	s8 =	sshrl.u32 s18, $0x3;
	s9 =	sor.u32 $0x500, s18;
	[dreg:$0x7] =	wrdreg s16  }
0xd: {  	s19 =	sadd.s32 $0xA00, s18;
	s13 =	sadd.s32 $0xF00, s18;
	s24 =	sadd.s32 $0x1400, s18  }
0xe: {  	s6 =	sadd.s32 $0x1900, s18;
	s22 =	smax.u32 s22, $0x1;
	s14 =	sadd.s32 s0, s8  }
0xf: {  	s17 =	sshrl.u32 s9, $0x3;
	s8 =	sadd.s32 s2, s5;
	s20 =	sshrl.u32 s19, $0x3  }
0x10: {  	s21 =	sshll.u32 s9, $0x4;
	s23 =	sshrl.u32 s13, $0x3;
	s1 =	sshll.u32 s19, $0x4  }
0x11: {  	s25 =	sshrl.u32 s24, $0x3;
	s26 =	sshll.u32 s13, $0x4;
	s4 =	sshll.u32 s24, $0x4  }
0x12: {  	s19 =	sadd.s32 $0x1E00, s18;
	[dreg:$0x5] =	wrdreg s14;
	s7 =	sadd.s32 s0, s17  }
0x13: {  	s9 =	sadd.s32 s0, s20;
	s10 =	sadd.s32 s2, s21;
	s11 =	sadd.s32 s0, s23  }
0x14: {  	s12 =	sadd.s32 s2, s1;
	s13 =	sadd.s32 s0, s25;
	s14 =	sadd.s32 s2, s26  }
0x15: {  	s20 =	sshrl.u32 s6, $0x3;
	s16 =	sadd.s32 s2, s4;
	s21 =	sshrl.u32 s19, $0x3  }
0x16: {  	s1 =	sshll.u32 s6, $0x4;
	s23 =	sadd.s32 $0x2300, s18;
	s25 =	sshll.u32 s19, $0x4  }
0x17: {  	s15 =	sadd.s32 s0, s20;
	s17 =	sadd.s32 s0, s21;
	s18 =	sadd.s32 s2, s1  }
0x18: {  	s24 =	sshrl.u32 s23, $0x3;
	s20 =	sadd.s32 s2, s25;
	s26 =	sshll.u32 s23, $0x4  }
0x19: {  	s23 =	simm.s32 $0x5;
	s25 =	simm.s32 $0xA00;
	s1 =	simm.s32 $0x80  }
0x1a: {  	s19 =	sadd.s32 s0, s24;
	s21 =	sadd.s32 s2, s26;
	s24 =	simm.s32 $0x500  }
0x1b: {  	s0 =	simm.s32 $0x3;
	s2 =	simm.s32 $0x2;
	s26 =	simm.s32 $0x4  }
.LBB2_1:
0x1c: {  	s4 =	simm.s32 $0x0;
	s5 =	rddreg [dreg:$0x5]  }
0x1d: {  	[tilespmem:s4], [sflag:$0x5] =	stream.linear.gather [hbm4b:s5+s4], $0x500, $0x38;
	[tilespmem:$0x14E08] =	vst v63  }
0x1e: {  	_ =	swait.ge [sflag:s23], $0x500  }
0x1f: {  	[sflag:s23] =	ssyncset.done $0x0  }
0x20: {  	s4 =	simm.s32 $0x0;
	s5 =	simm.s32 $0x40;
	[sflag:s23] =	ssyncadd.s32 $0xFFFFFB00  }
.LBB2_2:
0x21: {  	p0 =	sne.s32 s5, $0x13C0;
	v0 =	vld [tilespmem:s4+$0x0];
	_ =	sdelay $0x4  }
.Ltmp0:
0x22: {  	v1 =	vshll.u32 v0, $0x2;
	(pc) =	sbr.rel @p0 .LBB2_2-.Ltmp0, $4  }
0x23: {  	v2 =	vand.u32 $0xFFFF0000, v0;
	v0 =	vshrl.u32 v0, $0xE;
	v1 =	vand.u32 $0xFFFC, v1  }
0x24: {  	v0 =	vand.u32 $0x3, v0;
	v1 =	vor.u32 v2, v1  }
0x25: {  	v0 =	vor.u32 v0, v1  }
0x26: {  	[tilespmem:s4+$0x0] =	vst v0;
	s4 =	sshra.s32 s5, $0x2;
	s5 =	sadd.s32 $0x40, s5  }
0x27: {  	v0 =	vld [tilespmem:s4+$0x0];
	_ =	sdelay $0x4  }
0x28: {  	v1 =	vshll.u32 v0, $0x2  }
0x29: {  	v2 =	vand.u32 $0xFFFF0000, v0;
	v0 =	vshrl.u32 v0, $0xE;
	v1 =	vand.u32 $0xFFFC, v1  }
0x2a: {  	v0 =	vand.u32 $0x3, v0;
	v1 =	vor.u32 v2, v1  }
0x2b: {  	v0 =	vor.u32 v0, v1  }
0x2c: {  	[tilespmem:s4+$0x0] =	vst v0;
	s4 =	simm.s32 $0x0  }
0x2d: {  	[tilespmem:s25], [sflag:$0x1] =	stream.indirect.gather [hbm4b:s3+s24], $0x20, s4, s24, $0xb8;
	[tilespmem:$0x14E08] =	vst v63  }
0x2e: {  	s5 =	rddreg [dreg:$0x6];
	s6 =	simm.s32 $0x14A00  }
0x2f: {  	[tilespmem:s6], [sflag:$0x5] =	stream.linear.gather [hbm4b:s5+s4], $0x208, $0x38;
	[tilespmem:$0x14E08] =	vst v63  }
0x30: {  	_ =	swait.ge [sflag:s23], $0x208  }
0x31: {  	[sflag:s23] =	ssyncset.done $0x0  }
0x32: {  	[sflag:s23] =	ssyncadd.s32 $0xFFFFFDF8  }
0x33: {  	v42 =	vld [tilespmem:$0x14A00]  }
0x34: {  	v43 =	vld [tilespmem:$0x14A01]  }
0x35: {  	v44 =	vld [tilespmem:$0x14A10]  }
0x36: {  	v3 =	vld [tilespmem:$0x14A11]  }
0x37: {  	v4 =	vld [tilespmem:$0x14A20]  }
0x38: {  	v5 =	vld [tilespmem:$0x14A21]  }
0x39: {  	v6 =	vld [tilespmem:$0x14A30]  }
0x3a: {  	v7 =	vld [tilespmem:$0x14A31]  }
0x3b: {  	v8 =	vld [tilespmem:$0x14A40]  }
0x3c: {  	v9 =	vld [tilespmem:$0x14A41]  }
0x3d: {  	v10 =	vld [tilespmem:$0x14A50]  }
0x3e: {  	v11 =	vld [tilespmem:$0x14A51]  }
0x3f: {  	v12 =	vld [tilespmem:$0x14A60]  }
0x40: {  	v13 =	vld [tilespmem:$0x14A61]  }
0x41: {  	v14 =	vld [tilespmem:$0x14A70]  }
0x42: {  	v15 =	vld [tilespmem:$0x14A71]  }
0x43: {  	v16 =	vld [tilespmem:$0x14A80]  }
0x44: {  	v17 =	vld [tilespmem:$0x14A81]  }
0x45: {  	v18 =	vld [tilespmem:$0x14A90]  }
0x46: {  	v19 =	vld [tilespmem:$0x14A91]  }
0x47: {  	v20 =	vld [tilespmem:$0x14AA0]  }
0x48: {  	v21 =	vld [tilespmem:$0x14AA1]  }
0x49: {  	v22 =	vld [tilespmem:$0x14AB0]  }
0x4a: {  	v23 =	vld [tilespmem:$0x14AB1]  }
0x4b: {  	v24 =	vld [tilespmem:$0x14AC0]  }
0x4c: {  	v25 =	vld [tilespmem:$0x14AC1]  }
0x4d: {  	v26 =	vld [tilespmem:$0x14AD0]  }
0x4e: {  	v27 =	vld [tilespmem:$0x14AD1]  }
0x4f: {  	v28 =	vld [tilespmem:$0x14AE0]  }
0x50: {  	v29 =	vld [tilespmem:$0x14AE1]  }
0x51: {  	v30 =	vld [tilespmem:$0x14AF0]  }
0x52: {  	v31 =	vld [tilespmem:$0x14AF1]  }
0x53: {  	v32 =	vld [tilespmem:$0x14B00]  }
0x54: {  	v33 =	vld [tilespmem:$0x14B01]  }
0x55: {  	v34 =	vld [tilespmem:$0x14B10]  }
0x56: {  	v35 =	vld [tilespmem:$0x14B11]  }
0x57: {  	v36 =	vld [tilespmem:$0x14B20]  }
0x58: {  	v45 =	vld [tilespmem:$0x14B21];
	v0 =	vsub.s32 v43, v42  }
0x59: {  	v47 =	vld [tilespmem:$0x14B30];
	v46 =	vsub.s32 v3, v44;
	[tilespmem:$0x14C08] =	vst v0  }
0x5a: {  	v49 =	vld [tilespmem:$0x14B31];
	v48 =	vsub.s32 v5, v4;
	[tilespmem:$0x14C18] =	vst v46  }
0x5b: {  	v51 =	vld [tilespmem:$0x14B40];
	v50 =	vsub.s32 v7, v6;
	[tilespmem:$0x14C28] =	vst v48  }
0x5c: {  	v53 =	vld [tilespmem:$0x14B41];
	v52 =	vsub.s32 v9, v8;
	[tilespmem:$0x14C38] =	vst v50  }
0x5d: {  	v55 =	vld [tilespmem:$0x14B50];
	v54 =	vsub.s32 v11, v10;
	[tilespmem:$0x14C48] =	vst v52  }
0x5e: {  	v57 =	vld [tilespmem:$0x14B51];
	v56 =	vsub.s32 v13, v12;
	[tilespmem:$0x14C58] =	vst v54  }
0x5f: {  	v59 =	vld [tilespmem:$0x14B60];
	v58 =	vsub.s32 v15, v14;
	[tilespmem:$0x14C68] =	vst v56  }
0x60: {  	v61 =	vld [tilespmem:$0x14B61];
	v60 =	vsub.s32 v17, v16;
	[tilespmem:$0x14C78] =	vst v58  }
0x61: {  	v63 =	vld [tilespmem:$0x14B70];
	v62 =	vsub.s32 v19, v18;
	[tilespmem:$0x14C88] =	vst v60  }
0x62: {  	v38 =	vld [tilespmem:$0x14BA1];
	v20 =	vsub.s32 v21, v20;
	[tilespmem:$0x14C98] =	vst v62  }
0x63: {  	v40 =	vld [tilespmem:$0x14BB0];
	v22 =	vsub.s32 v23, v22;
	[tilespmem:$0x14CA8] =	vst v20  }
0x64: {  	v21 =	vld [tilespmem:$0x14B71];
	v24 =	vsub.s32 v25, v24;
	[tilespmem:$0x14CB8] =	vst v22  }
0x65: {  	v23 =	vld [tilespmem:$0x14B80];
	v26 =	vsub.s32 v27, v26;
	[tilespmem:$0x14CC8] =	vst v24  }
0x66: {  	v25 =	vld [tilespmem:$0x14B81];
	v28 =	vsub.s32 v29, v28;
	[tilespmem:$0x14CD8] =	vst v26  }
0x67: {  	v27 =	vld [tilespmem:$0x14B90];
	v30 =	vsub.s32 v31, v30;
	[tilespmem:$0x14CE8] =	vst v28  }
0x68: {  	v29 =	vld [tilespmem:$0x14B91];
	v37 =	vsub.s32 v33, v32;
	[tilespmem:$0x14CF8] =	vst v30  }
0x69: {  	v31 =	vld [tilespmem:$0x14BA0];
	v39 =	vsub.s32 v35, v34;
	[tilespmem:$0x14D08] =	vst v37  }
0x6a: {  	v41 =	vsub.s32 v45, v36;
	v42 =	vld [tilespmem:$0x14BB1];
	[tilespmem:$0x14D18] =	vst v39  }
0x6b: {  	v43 =	vsub.s32 v49, v47;
	v44 =	vld [tilespmem:$0x14BC0];
	[tilespmem:$0x14D28] =	vst v41  }
0x6c: {  	v45 =	vsub.s32 v53, v51;
	[tilespmem:$0x14D38] =	vst v43;
	v46 =	vld [tilespmem:$0x14BC1]  }
0x6d: {  	v47 =	vsub.s32 v57, v55;
	[tilespmem:$0x14D48] =	vst v45;
	v48 =	vld [tilespmem:$0x14BD0]  }
0x6e: {  	v49 =	vsub.s32 v61, v59;
	[tilespmem:$0x14D58] =	vst v47;
	v50 =	vld [tilespmem:$0x14BD1]  }
0x6f: {  	[tilespmem:$0x14D68] =	vst v49;
	v52 =	vld [tilespmem:$0x14BE0];
	v51 =	vsub.s32 v21, v63  }
0x70: {  	v54 =	vld [tilespmem:$0x14BE1];
	v53 =	vsub.s32 v25, v23;
	[tilespmem:$0x14D78] =	vst v51  }
0x71: {  	v56 =	vld [tilespmem:$0x14BF0];
	v55 =	vsub.s32 v29, v27;
	[tilespmem:$0x14D88] =	vst v53  }
0x72: {  	v58 =	vld [tilespmem:$0x14BF1];
	v57 =	vsub.s32 v38, v31;
	[tilespmem:$0x14D98] =	vst v55  }
0x73: {  	v59 =	vsub.s32 v42, v40;
	[tilespmem:$0x14DA8] =	vst v57  }
0x74: {  	[tilespmem:$0x14DB8] =	vst v59;
	v60 =	vsub.s32 v46, v44  }
0x75: {  	v61 =	vsub.s32 v50, v48;
	[tilespmem:$0x14DC8] =	vst v60  }
0x76: {  	v62 =	vsub.s32 v54, v52;
	[tilespmem:$0x14DD8] =	vst v61  }
0x77: {  	v63 =	vsub.s32 v58, v56;
	[tilespmem:$0x14DE8] =	vst v62  }
0x78: {  	s6 =	simm.s32 $0x14C08;
	s5 =	rddreg [dreg:$0x7];
	[tilespmem:$0x14DF8] =	vst v63  }
0x79: {  	[hbm4b:s5+s4] =	stream.linear.scatter [tilespmem:s6], [sflag:$0x5], $0x200, $0x38;
	[tilespmem:$0x14E08] =	vst v63  }
0x7a: {  	_ =	swait.ge [sflag:s23], $0x200  }
0x7b: {  	[sflag:s23] =	ssyncset.done $0x0  }
0x7c: {  	[sflag:s23] =	ssyncadd.s32 $0xFFFFFE00  }
0x7d: {  	[tilespmem:s24], [sflag:$0x5] =	stream.linear.gather [hbm4b:s7+s4], $0x500, $0x38;
	[tilespmem:$0x14E08] =	vst v63  }
0x7e: {  	_ =	swait.ge [sflag:s23], $0x500  }
0x7f: {  	[sflag:s23] =	ssyncset.done $0x0  }
0x80: {  	s5 =	simm.s32 $0x40;
	s4 =	simm.s32 $0x0;
	[sflag:s23] =	ssyncadd.s32 $0xFFFFFB00  }
.LBB2_4:
0x81: {  	p0 =	sne.s32 s5, $0x13C0;
	v0 =	vld [tilespmem:s4+$0x500];
	_ =	sdelay $0x4  }
.Ltmp1:
0x82: {  	v1 =	vshll.u32 v0, $0x2;
	(pc) =	sbr.rel @p0 .LBB2_4-.Ltmp1, $4  }
0x83: {  	v2 =	vand.u32 $0xFFFF0000, v0;
	v0 =	vshrl.u32 v0, $0xE;
	v1 =	vand.u32 $0xFFFC, v1  }
0x84: {  	v0 =	vand.u32 $0x3, v0;
	v1 =	vor.u32 v2, v1  }
0x85: {  	v0 =	vor.u32 v0, v1  }
0x86: {  	[tilespmem:s4+$0x500] =	vst v0;
	s4 =	sshra.s32 s5, $0x2;
	s5 =	sadd.s32 $0x40, s5  }
0x87: {  	v0 =	vld [tilespmem:s4+$0x500];
	_ =	sdelay $0x4  }
0x88: {  	v1 =	vshll.u32 v0, $0x2  }
0x89: {  	v2 =	vand.u32 $0xFFFF0000, v0;
	v0 =	vshrl.u32 v0, $0xE;
	v1 =	vand.u32 $0xFFFC, v1  }
0x8a: {  	v0 =	vand.u32 $0x3, v0;
	v1 =	vor.u32 v2, v1  }
0x8b: {  	v0 =	vor.u32 v0, v1  }
0x8c: {  	[tilespmem:s4+$0x500] =	vst v0  }
0x8d: {  	[tilespmem:s29], [sflag:$0x2] =	stream.indirect.gather [hbm4b:s3+s24], $0x20, s24, s24, $0xb8;
	[tilespmem:$0x14E08] =	vst v63  }
0x8e: {  	_ =	swait.ge [sflag:s30], $0xA000  }
0x8f: {  	[sflag:s30] =	ssyncset.done $0x0  }
0x90: {  	[sflag:s30] =	ssyncadd.s32 $0xFFFF6000  }
0x91: {  	[hbm4b:s8+s31] =	stream.strided.scatter [tilespmem:s25], [sflag:$0x3], $0xA000, s1, s31, $0x38;
	[tilespmem:$0x14E08] =	vst v63  }
0x92: {  	_ =	swait.ge [sflag:s0], $0xA000  }
0x93: {  	[sflag:s0] =	ssyncset.done $0x0  }
0x94: {  	s6 =	simm.s32 $0x0;
	[sflag:s0] =	ssyncadd.s32 $0xFFFF6000  }
0x95: {  	[tilespmem:s6], [sflag:$0x5] =	stream.linear.gather [hbm4b:s9+s6], $0x500, $0x38;
	[tilespmem:$0x14E08] =	vst v63  }
0x96: {  	_ =	swait.ge [sflag:s23], $0x500  }
0x97: {  	[sflag:s23] =	ssyncset.done $0x0  }
0x98: {  	s5 =	simm.s32 $0x40;
	s4 =	simm.s32 $0x0;
	[sflag:s23] =	ssyncadd.s32 $0xFFFFFB00  }
.LBB2_6:
0x99: {  	p0 =	sne.s32 s5, $0x13C0;
	v0 =	vld [tilespmem:s4+$0x0];
	_ =	sdelay $0x4  }
.Ltmp2:
0x9a: {  	v1 =	vshll.u32 v0, $0x2;
	(pc) =	sbr.rel @p0 .LBB2_6-.Ltmp2, $4  }
0x9b: {  	v2 =	vand.u32 $0xFFFF0000, v0;
	v0 =	vshrl.u32 v0, $0xE;
	v1 =	vand.u32 $0xFFFC, v1  }
0x9c: {  	v0 =	vand.u32 $0x3, v0;
	v1 =	vor.u32 v2, v1  }
0x9d: {  	v0 =	vor.u32 v0, v1  }
0x9e: {  	[tilespmem:s4+$0x0] =	vst v0;
	s4 =	sshra.s32 s5, $0x2;
	s5 =	sadd.s32 $0x40, s5  }
0x9f: {  	v0 =	vld [tilespmem:s4+$0x0];
	_ =	sdelay $0x4  }
0xa0: {  	v1 =	vshll.u32 v0, $0x2  }
0xa1: {  	v2 =	vand.u32 $0xFFFF0000, v0;
	v0 =	vshrl.u32 v0, $0xE;
	v1 =	vand.u32 $0xFFFC, v1  }
0xa2: {  	v0 =	vand.u32 $0x3, v0;
	v1 =	vor.u32 v2, v1  }
0xa3: {  	v0 =	vor.u32 v0, v1  }
0xa4: {  	s6 =	simm.s32 $0x0;
	[tilespmem:s4+$0x0] =	vst v0  }
0xa5: {  	[tilespmem:s25], [sflag:$0x1] =	stream.indirect.gather [hbm4b:s3+s24], $0x20, s6, s24, $0xb8;
	[tilespmem:$0x14E08] =	vst v63  }
0xa6: {  	_ =	swait.ge [sflag:s2], $0xA000  }
0xa7: {  	[sflag:s2] =	ssyncset.done $0x0  }
0xa8: {  	[sflag:s2] =	ssyncadd.s32 $0xFFFF6000  }
0xa9: {  	[hbm4b:s10+s31] =	stream.strided.scatter [tilespmem:s29], [sflag:$0x4], $0xA000, s1, s31, $0x38;
	[tilespmem:$0x14E08] =	vst v63  }
0xaa: {  	_ =	swait.ge [sflag:s26], $0xA000  }
0xab: {  	[sflag:s26] =	ssyncset.done $0x0  }
0xac: {  	[sflag:s26] =	ssyncadd.s32 $0xFFFF6000  }
0xad: {  	[tilespmem:s24], [sflag:$0x5] =	stream.linear.gather [hbm4b:s11+s6], $0x500, $0x38;
	[tilespmem:$0x14E08] =	vst v63  }
0xae: {  	_ =	swait.ge [sflag:s23], $0x500  }
0xaf: {  	[sflag:s23] =	ssyncset.done $0x0  }
0xb0: {  	s5 =	simm.s32 $0x40;
	s4 =	simm.s32 $0x0;
	[sflag:s23] =	ssyncadd.s32 $0xFFFFFB00  }
.LBB2_8:
0xb1: {  	p0 =	sne.s32 s5, $0x13C0;
	v0 =	vld [tilespmem:s4+$0x500];
	_ =	sdelay $0x4  }
.Ltmp3:
0xb2: {  	v1 =	vshll.u32 v0, $0x2;
	(pc) =	sbr.rel @p0 .LBB2_8-.Ltmp3, $4  }
0xb3: {  	v2 =	vand.u32 $0xFFFF0000, v0;
	v0 =	vshrl.u32 v0, $0xE;
	v1 =	vand.u32 $0xFFFC, v1  }
0xb4: {  	v0 =	vand.u32 $0x3, v0;
	v1 =	vor.u32 v2, v1  }
0xb5: {  	v0 =	vor.u32 v0, v1  }
0xb6: {  	[tilespmem:s4+$0x500] =	vst v0;
	s4 =	sshra.s32 s5, $0x2;
	s5 =	sadd.s32 $0x40, s5  }
0xb7: {  	v0 =	vld [tilespmem:s4+$0x500];
	_ =	sdelay $0x4  }
0xb8: {  	v1 =	vshll.u32 v0, $0x2  }
0xb9: {  	v2 =	vand.u32 $0xFFFF0000, v0;
	v0 =	vshrl.u32 v0, $0xE;
	v1 =	vand.u32 $0xFFFC, v1  }
0xba: {  	v0 =	vand.u32 $0x3, v0;
	v1 =	vor.u32 v2, v1  }
0xbb: {  	v0 =	vor.u32 v0, v1  }
0xbc: {  	[tilespmem:s4+$0x500] =	vst v0  }
0xbd: {  	[tilespmem:s29], [sflag:$0x2] =	stream.indirect.gather [hbm4b:s3+s24], $0x20, s24, s24, $0xb8;
	[tilespmem:$0x14E08] =	vst v63  }
0xbe: {  	_ =	swait.ge [sflag:s30], $0xA000  }
0xbf: {  	[sflag:s30] =	ssyncset.done $0x0  }
0xc0: {  	[sflag:s30] =	ssyncadd.s32 $0xFFFF6000  }
0xc1: {  	[hbm4b:s12+s31] =	stream.strided.scatter [tilespmem:s25], [sflag:$0x3], $0xA000, s1, s31, $0x38;
	[tilespmem:$0x14E08] =	vst v63  }
0xc2: {  	_ =	swait.ge [sflag:s0], $0xA000  }
0xc3: {  	[sflag:s0] =	ssyncset.done $0x0  }
0xc4: {  	s6 =	simm.s32 $0x0;
	[sflag:s0] =	ssyncadd.s32 $0xFFFF6000  }
0xc5: {  	[tilespmem:s6], [sflag:$0x5] =	stream.linear.gather [hbm4b:s13+s6], $0x500, $0x38;
	[tilespmem:$0x14E08] =	vst v63  }
0xc6: {  	_ =	swait.ge [sflag:s23], $0x500  }
0xc7: {  	[sflag:s23] =	ssyncset.done $0x0  }
0xc8: {  	s5 =	simm.s32 $0x40;
	s4 =	simm.s32 $0x0;
	[sflag:s23] =	ssyncadd.s32 $0xFFFFFB00  }
.LBB2_10:
0xc9: {  	p0 =	sne.s32 s5, $0x13C0;
	v0 =	vld [tilespmem:s4+$0x0];
	_ =	sdelay $0x4  }
.Ltmp4:
0xca: {  	v1 =	vshll.u32 v0, $0x2;
	(pc) =	sbr.rel @p0 .LBB2_10-.Ltmp4, $4  }
0xcb: {  	v2 =	vand.u32 $0xFFFF0000, v0;
	v0 =	vshrl.u32 v0, $0xE;
	v1 =	vand.u32 $0xFFFC, v1  }
0xcc: {  	v0 =	vand.u32 $0x3, v0;
	v1 =	vor.u32 v2, v1  }
0xcd: {  	v0 =	vor.u32 v0, v1  }
0xce: {  	[tilespmem:s4+$0x0] =	vst v0;
	s4 =	sshra.s32 s5, $0x2;
	s5 =	sadd.s32 $0x40, s5  }
0xcf: {  	v0 =	vld [tilespmem:s4+$0x0];
	_ =	sdelay $0x4  }
0xd0: {  	v1 =	vshll.u32 v0, $0x2  }
0xd1: {  	v2 =	vand.u32 $0xFFFF0000, v0;
	v0 =	vshrl.u32 v0, $0xE;
	v1 =	vand.u32 $0xFFFC, v1  }
0xd2: {  	v0 =	vand.u32 $0x3, v0;
	v1 =	vor.u32 v2, v1  }
0xd3: {  	v0 =	vor.u32 v0, v1  }
0xd4: {  	s6 =	simm.s32 $0x0;
	[tilespmem:s4+$0x0] =	vst v0  }
0xd5: {  	[tilespmem:s25], [sflag:$0x1] =	stream.indirect.gather [hbm4b:s3+s24], $0x20, s6, s24, $0xb8;
	[tilespmem:$0x14E08] =	vst v63  }
0xd6: {  	_ =	swait.ge [sflag:s2], $0xA000  }
0xd7: {  	[sflag:s2] =	ssyncset.done $0x0  }
0xd8: {  	[sflag:s2] =	ssyncadd.s32 $0xFFFF6000  }
0xd9: {  	[hbm4b:s14+s31] =	stream.strided.scatter [tilespmem:s29], [sflag:$0x4], $0xA000, s1, s31, $0x38;
	[tilespmem:$0x14E08] =	vst v63  }
0xda: {  	_ =	swait.ge [sflag:s26], $0xA000  }
0xdb: {  	[sflag:s26] =	ssyncset.done $0x0  }
0xdc: {  	[sflag:s26] =	ssyncadd.s32 $0xFFFF6000  }
0xdd: {  	[tilespmem:s24], [sflag:$0x5] =	stream.linear.gather [hbm4b:s15+s6], $0x500, $0x38;
	[tilespmem:$0x14E08] =	vst v63  }
0xde: {  	_ =	swait.ge [sflag:s23], $0x500  }
0xdf: {  	[sflag:s23] =	ssyncset.done $0x0  }
0xe0: {  	s5 =	simm.s32 $0x40;
	s4 =	simm.s32 $0x0;
	[sflag:s23] =	ssyncadd.s32 $0xFFFFFB00  }
.LBB2_12:
0xe1: {  	p0 =	sne.s32 s5, $0x13C0;
	v0 =	vld [tilespmem:s4+$0x500];
	_ =	sdelay $0x4  }
.Ltmp5:
0xe2: {  	v1 =	vshll.u32 v0, $0x2;
	(pc) =	sbr.rel @p0 .LBB2_12-.Ltmp5, $4  }
0xe3: {  	v2 =	vand.u32 $0xFFFF0000, v0;
	v0 =	vshrl.u32 v0, $0xE;
	v1 =	vand.u32 $0xFFFC, v1  }
0xe4: {  	v0 =	vand.u32 $0x3, v0;
	v1 =	vor.u32 v2, v1  }
0xe5: {  	v0 =	vor.u32 v0, v1  }
0xe6: {  	[tilespmem:s4+$0x500] =	vst v0;
	s4 =	sshra.s32 s5, $0x2;
	s5 =	sadd.s32 $0x40, s5  }
0xe7: {  	v0 =	vld [tilespmem:s4+$0x500];
	_ =	sdelay $0x4  }
0xe8: {  	v1 =	vshll.u32 v0, $0x2  }
0xe9: {  	v2 =	vand.u32 $0xFFFF0000, v0;
	v0 =	vshrl.u32 v0, $0xE;
	v1 =	vand.u32 $0xFFFC, v1  }
0xea: {  	v0 =	vand.u32 $0x3, v0;
	v1 =	vor.u32 v2, v1  }
0xeb: {  	v0 =	vor.u32 v0, v1  }
0xec: {  	[tilespmem:s4+$0x500] =	vst v0  }
0xed: {  	[tilespmem:s29], [sflag:$0x2] =	stream.indirect.gather [hbm4b:s3+s24], $0x20, s24, s24, $0xb8;
	[tilespmem:$0x14E08] =	vst v63  }
0xee: {  	_ =	swait.ge [sflag:s30], $0xA000  }
0xef: {  	[sflag:s30] =	ssyncset.done $0x0  }
0xf0: {  	[sflag:s30] =	ssyncadd.s32 $0xFFFF6000  }
0xf1: {  	[hbm4b:s16+s31] =	stream.strided.scatter [tilespmem:s25], [sflag:$0x3], $0xA000, s1, s31, $0x38;
	[tilespmem:$0x14E08] =	vst v63  }
0xf2: {  	_ =	swait.ge [sflag:s0], $0xA000  }
0xf3: {  	[sflag:s0] =	ssyncset.done $0x0  }
0xf4: {  	s6 =	simm.s32 $0x0;
	[sflag:s0] =	ssyncadd.s32 $0xFFFF6000  }
0xf5: {  	[tilespmem:s6], [sflag:$0x5] =	stream.linear.gather [hbm4b:s17+s6], $0x500, $0x38;
	[tilespmem:$0x14E08] =	vst v63  }
0xf6: {  	_ =	swait.ge [sflag:s23], $0x500  }
0xf7: {  	[sflag:s23] =	ssyncset.done $0x0  }
0xf8: {  	s5 =	simm.s32 $0x40;
	s4 =	simm.s32 $0x0;
	[sflag:s23] =	ssyncadd.s32 $0xFFFFFB00  }
.LBB2_14:
0xf9: {  	p0 =	sne.s32 s5, $0x13C0;
	v0 =	vld [tilespmem:s4+$0x0];
	_ =	sdelay $0x4  }
.Ltmp6:
0xfa: {  	v1 =	vshll.u32 v0, $0x2;
	(pc) =	sbr.rel @p0 .LBB2_14-.Ltmp6, $4  }
0xfb: {  	v2 =	vand.u32 $0xFFFF0000, v0;
	v0 =	vshrl.u32 v0, $0xE;
	v1 =	vand.u32 $0xFFFC, v1  }
0xfc: {  	v0 =	vand.u32 $0x3, v0;
	v1 =	vor.u32 v2, v1  }
0xfd: {  	v0 =	vor.u32 v0, v1  }
0xfe: {  	[tilespmem:s4+$0x0] =	vst v0;
	s4 =	sshra.s32 s5, $0x2;
	s5 =	sadd.s32 $0x40, s5  }
0xff: {  	v0 =	vld [tilespmem:s4+$0x0];
	_ =	sdelay $0x4  }
0x100: {  	v1 =	vshll.u32 v0, $0x2  }
0x101: {  	v2 =	vand.u32 $0xFFFF0000, v0;
	v0 =	vshrl.u32 v0, $0xE;
	v1 =	vand.u32 $0xFFFC, v1  }
0x102: {  	v0 =	vand.u32 $0x3, v0;
	v1 =	vor.u32 v2, v1  }
0x103: {  	v0 =	vor.u32 v0, v1  }
0x104: {  	s6 =	simm.s32 $0x0;
	[tilespmem:s4+$0x0] =	vst v0  }
0x105: {  	[tilespmem:s25], [sflag:$0x1] =	stream.indirect.gather [hbm4b:s3+s24], $0x20, s6, s24, $0xb8;
	[tilespmem:$0x14E08] =	vst v63  }
0x106: {  	_ =	swait.ge [sflag:s2], $0xA000  }
0x107: {  	[sflag:s2] =	ssyncset.done $0x0  }
0x108: {  	[sflag:s2] =	ssyncadd.s32 $0xFFFF6000  }
0x109: {  	[hbm4b:s18+s31] =	stream.strided.scatter [tilespmem:s29], [sflag:$0x4], $0xA000, s1, s31, $0x38;
	[tilespmem:$0x14E08] =	vst v63  }
0x10a: {  	_ =	swait.ge [sflag:s26], $0xA000  }
0x10b: {  	[sflag:s26] =	ssyncset.done $0x0  }
0x10c: {  	[sflag:s26] =	ssyncadd.s32 $0xFFFF6000  }
0x10d: {  	[tilespmem:s24], [sflag:$0x5] =	stream.linear.gather [hbm4b:s19+s6], $0x500, $0x38;
	[tilespmem:$0x14E08] =	vst v63  }
0x10e: {  	_ =	swait.ge [sflag:s23], $0x500  }
0x10f: {  	[sflag:s23] =	ssyncset.done $0x0  }
0x110: {  	s5 =	simm.s32 $0x40;
	s4 =	simm.s32 $0x0;
	[sflag:s23] =	ssyncadd.s32 $0xFFFFFB00  }
.LBB2_16:
0x111: {  	p0 =	sne.s32 s5, $0x13C0;
	v0 =	vld [tilespmem:s4+$0x500];
	_ =	sdelay $0x4  }
.Ltmp7:
0x112: {  	v1 =	vshll.u32 v0, $0x2;
	(pc) =	sbr.rel @p0 .LBB2_16-.Ltmp7, $4  }
0x113: {  	v2 =	vand.u32 $0xFFFF0000, v0;
	v0 =	vshrl.u32 v0, $0xE;
	v1 =	vand.u32 $0xFFFC, v1  }
0x114: {  	v0 =	vand.u32 $0x3, v0;
	v1 =	vor.u32 v2, v1  }
0x115: {  	v0 =	vor.u32 v0, v1  }
0x116: {  	[tilespmem:s4+$0x500] =	vst v0;
	s4 =	sshra.s32 s5, $0x2;
	s5 =	sadd.s32 $0x40, s5  }
0x117: {  	v0 =	vld [tilespmem:s4+$0x500];
	_ =	sdelay $0x4  }
0x118: {  	v1 =	vshll.u32 v0, $0x2  }
0x119: {  	v2 =	vand.u32 $0xFFFF0000, v0;
	v0 =	vshrl.u32 v0, $0xE;
	v1 =	vand.u32 $0xFFFC, v1  }
0x11a: {  	v0 =	vand.u32 $0x3, v0;
	v1 =	vor.u32 v2, v1  }
0x11b: {  	v0 =	vor.u32 v0, v1  }
0x11c: {  	[tilespmem:s4+$0x500] =	vst v0  }
0x11d: {  	[tilespmem:s29], [sflag:$0x2] =	stream.indirect.gather [hbm4b:s3+s24], $0x20, s24, s24, $0xb8;
	[tilespmem:$0x14E08] =	vst v63  }
0x11e: {  	_ =	swait.ge [sflag:s30], $0xA000  }
0x11f: {  	[sflag:s30] =	ssyncset.done $0x0  }
0x120: {  	[sflag:s30] =	ssyncadd.s32 $0xFFFF6000  }
0x121: {  	[hbm4b:s20+s31] =	stream.strided.scatter [tilespmem:s25], [sflag:$0x3], $0xA000, s1, s31, $0x38;
	[tilespmem:$0x14E08] =	vst v63  }
0x122: {  	_ =	swait.ge [sflag:s2], $0xA000  }
0x123: {  	[sflag:s2] =	ssyncset.done $0x0  }
0x124: {  	s28 =	sadd.s32 $0x1, s28;
	[sflag:s2] =	ssyncadd.s32 $0xFFFF6000  }
0x125: {  	[hbm4b:s21+s31] =	stream.strided.scatter [tilespmem:s29], [sflag:$0x4], $0xA000, s1, s31, $0x38;
	[tilespmem:$0x14E08] =	vst v63  }
0x126: {  	p0 =	sne.s32 s28, s22;
	_ =	swait.ge [sflag:s0], $0xA000  }
.Ltmp8:
0x127: {  	[sflag:s0] =	ssyncset.done $0x0;
	(pc) =	sbr.rel @p0 .LBB2_1-.Ltmp8, $4  }
0x128: {  	[sflag:s0] =	ssyncadd.s32 $0xFFFF6000  }
0x129: {  	_ =	swait.ge [sflag:s26], $0xA000  }
0x12a: {  	[sflag:s26] =	ssyncset.done $0x0  }
0x12b: {  	[sflag:s26] =	ssyncadd.s32 $0xFFFF6000  }
0x12c: {  	_ =	sfence.sel $0x180000  }
0x12d: {  	[bflag:$0x0] =	sbarrier.arrive $0xFFFF  }
0x12e: {  	_ =	strace $0x90000047  }
0x12f: {  	s0 =	stileid.u32;
	[bflag:$0x2] =	sbarrier.arrive $0xFFFF  }
0x130: {  	p0 =	sne.s32 s0, $0x0;
	s0 =	rddreg [dreg:$0x4]  }
0x131: {  	s0 =	sadd.s32 @!p0 $0x100000, s0  }
0x132: {  	[sflag:s0] =	ssyncadd.tile.s32 @!p0 $0x1;
	_ =	shalt  }
.Lfunc_end2:
_tile_overlayer_lowered:
.L_overlay_start_2:
0x133: {  	(tag) =	ssettag $0x2  }
0x134: {  	s0 =	rddreg [dreg:$0x0];
	s2 =	stileid.u32  }
0x135: {  	s1 =	rddreg [dreg:$0x1];
	p0 =	sne.s32 s2, $0x0  }
0x136: {  	s3 =	rddreg [dreg:$0x2];
	[bflag:$0x3] =	sbarrier.arrive $0xFFFF;
	s2 =	simm.s32 @!p0 $0x1C05  }
0x137: {  	[timem:s3], [sflag:s2] =	dma.local @!p0 [hbm:s0], s1  }
0x138: {  	s0 =	simm.s32 @!p0 $0x5  }
0x139: {  	_ =	swait.ge @!p0 [sflag:s0], s1  }
0x13a: {  	s1 =	ssub.s32 @!p0 $0x0, s1;
	[sflag:s0] =	ssyncset.done @!p0 $0x0  }
0x13b: {  	[sflag:s0] =	ssyncadd.s32 @!p0 s1  }
0x13c: {  	[bflag:$0x3] =	sbarrier.arrive $0xFFFF  }
0x13d: {  	_ =	shalt  }

// kernel: sparse-core-data-format-call.cloned.1.call-start
scs
called_computation_lowered:
.L_overlay_start_0:
0x0: {  	s2 =	sld [smem:$0x3FD9]  }
0x1: {  	s3 =	sld [smem:$0x3FFE];
	_ =	sdelay $0x1  }
0x2: {  	s1 =	srdreg.scid  }
0x3: {  	s0 =	sand.u32 $0x1, s1  }
0x4: {  	s15 =	sshll.u32 s0, $0xA;
	s2 =	sadd.s32 s3, s2  }
0x5: {  	s2 =	sadd.s32 s2, s15  }
0x6: {  	[smem:$0x3FC5] =	sst s2  }
0x7: {  	_ = 	snop  }
0x8: {  	s2 =	sld [smem:$0x3FD0];
	_ =	sdelay $0x2  }
0x9: {  	s16 =	simm.s32 $0xA;
	s4 =	simm.s32 $0x10  }
0xa: {  	[smem:s4], [sflag:s16] =	dma.local [hbm:s2], $0x1  }
0xb: {  	_ =	swait.eq [sflag:s16], $0x1  }
0xc: {  	[sflag:s16] =	ssyncset.done $0x0  }
0xd: {  	[sflag:s16] =	ssyncadd.s32 $0xFFFFFFFF  }
0xe: {  	s17 =	sld [smem:$0x10];
	(tm) =	ssettm $0x1  }
0xf: {  	s18 =	sld [smem:$0x3FFB];
	_ =	sdelay $0x3  }
0x10: {  	_ =	strace s18  }
0x11: {  	s3 =	sld [smem:$0x3FFC];
	_ =	sdelay $0x3  }
0x12: {  	_ =	strace s3  }
0x13: {  	s3 =	sld [smem:$0x3FFD];
	_ =	sdelay $0x3  }
0x14: {  	_ =	strace s3  }
0x15: {  	_ =	strace $0x8FFFFFFF  }
0x16: {  	s19 =	sld [smem:$0x3FDB];
	_ =	sdelay $0x1  }
0x17: {  	s20 =	simm.s32 $_scs_section_size  }
0x18: {  	s5 =	simm.s32 $_size__tile_overlayer_lowered;
	s6 =	simm.s32 $_tile_overlayer_lowered  }
0x19: {  	s23 =	simm.s32 $0x1BFF;
	s22 =	sshll.u32 s6, $0x1;
	s3 =	sadd.s32 s20, s19  }
0x1a: {  	s7 =	simm.s32 $0x0;
	s21 =	sshll.u32 s5, $0x1;
	s5 =	sadd.s32 s22, s3  }
0x1b: {  	[timem:s7], [sflag:s23] =	dma.local [hbm:s5], s21  }
0x1c: {  	_ =	swait.ge [sflag:s23], s21  }
0x1d: {  	s4 =	ssub.s32 $0x0, s21;
	[sflag:s23] =	ssyncset.done $0x0  }
0x1e: {  	[sflag:s23] =	ssyncadd.s32 s4;
	_ =	sdelay $0x1  }
0x1f: {  	s24 =	simm.s32 $0x1B8B  }
0x20: {  	_ =	swait.ge [sflag:s24], $0x1  }
0x21: {  	[sflag:s24] =	ssyncset.done $0x0  }
0x22: {  	s26 =	simm.s32 $0x1B8E;
	s25 =	sld [smem:$0x3FFE];
	[sflag:s24] =	ssyncadd.s32 $0xFFFFFFFF  }
0x23: {  	s27 =	simm.s32 $execute0_lowered;
	[smem:$0x3FD2] =	sst s26  }
0x24: {  	s5 =	sshll.u32 s27, $0x1;
	_ =	strace $0x80000049;
	[dreg:$0x1] =	wrdreg $0xFFFFFFFF  }
0x25: {  	s28 =	simm.s32 $_size_execute0_lowered;
	s3 =	sadd.s32 s3, s5;
	[dreg:$0x0] =	wrdreg $0x0  }
0x26: {  	s5 =	sshll.u32 s28, $0x1;
	[dreg:$0x2] =	wrdreg s3  }
0x27: {  	[dreg:$0x3] =	wrdreg s5  }
0x28: {  	[dreg:$0x4] =	wrdreg $0xC0  }
0x29: {  	_ =	task [dreg:s7], $0x5FFFF  }
0x2a: {  	[dreg:$0x1] =	wrdreg $0xFFFFFFFF  }
0x2b: {  	[dreg:$0x0] =	wrdreg $0x60  }
0x2c: {  	[dreg:$0x2] =	wrdreg s25  }
0x2d: {  	[dreg:$0x3] =	wrdreg s17  }
0x2e: {  	[dreg:$0x4] =	wrdreg $0x9  }
0x2f: {  	_ =	task.clear_ibuf [dreg:s7], $0x5FFFF;
	_ =	strace $0x90000049  }
0x30: {  	s29 =	simm.s32 $0x9;
	_ =	strace $0x8000004B  }
0x31: {  	_ =	swait.ge [sflag:s29], $0x1  }
0x32: {  	[sflag:s29] =	ssyncadd.s32 $0xFFFFFFFF  }
0x33: {  	_ =	strace $0x9000004B  }
0x34: {  	_ =	sfence  }
0x35: {  	s30 =	sld [smem:$0x0];
	_ =	sdelay $0x2  }
0x36: {  	s31 =	sshll.u32 s1, $0xD;
	s1 =	sshrl.u32 s1, $0x2  }
0x37: {  	s3 =	sand.u32 $0x4000, s31;
	s1 =	sadd.s32 s1, s30  }
0x38: {  	s0 =	sor.u32 s3, s0;
	s1 =	sshll.u32 s1, $0x11  }
0x39: {  	s0 =	sor.u32 s1, s0  }
0x3a: {  	s0 =	sadd.s32 $0x8F2B, s0  }
0x3b: {  	[sflag:s0] =	ssyncadd.remote.s32 $0x1  }
0x3c: {  	_ =	sfence.sel $0xFFFF  }
0x3d: {  	[dreg:$0x0] =	wrdreg $0xFFFFFFFF;
	(pc) =	sbr.abs _section_cstart, $3  }
0x3e: {  	[dreg:$0x1] =	wrdreg $0xFFFFFFFF  }
0x3f: {  	_ =	task.clear_ibuf [dreg:s7], $0x2FFFF;
	_ =	strace $0x9FFFFFFF  }
0x40: {  	(tm) =	ssettm $0x7FFFFFFF  }
0x41: {  	_ =	shalt  }
tec
execute0_lowered:
.L_overlay_start_1:
0x0: {  	(tag) =	ssettag $0x1  }
0x1: {  	s0 =	srdreg.scid  }
0x2: {  	s1 =	sshll.u32 s0, $0x4  }
0x3: {  	s4 =	rddreg [dreg:$0x0];
	s0 =	stileid.u32;
	s1 =	sand.u32 $0x10, s1  }
0x4: {  	s2 =	rddreg [dreg:$0x1];
	s7 =	simm.s32 $0x1;
	s1 =	sor.u32 s0, s1  }
0x5: {  	s8 =	simm.s32 $0x2;
	s11 =	simm.s32 $0x0;
	s3 =	sshll.u32 s1, $0x7  }
0x6: {  	s10 =	simm.s32 $0x0;
	s4 =	sadd.s32 $0x400E00, s4;
	s6 =	ssub.s32 $0x50000, s3  }
.Ltmp0:
0x7: {  	s1 =	rddreg [dreg:$0x2];
	s5 =	sand.u32 $0xF80, s6;
	(pc) =	sbr.rel .LBB1_1-.Ltmp0, $4  }
0x8: {  	_ =	strace $0x8000004A;
	s9 =	smov.u32 s3;
	p0 =	sne.s32 s5, $0x0  }
0x9: {  	s6 =	sshrl.u32 s6, $0xC;
	s5 =	simm.s32 $0x1;
	s7 =	simm.s32 @!p0 $0x0  }
0xa: {  	[sflag:s5] =	ssyncpa.u1 $0x0;
	p0 =	por $0x0, $0x0;
	s6 =	sadd.s32 s7, s6  }
0xb: {  	[sflag:s8] =	ssyncpa.u1 $0x0;
	s8 =	simm.s32 $0x280000;
	s7 =	sadd.s32 $0x1, s6  }
.LBB1_4:
0xc: {  	s14 =	sshll.u32 s11, $0x3  }
0xd: {  	s30 =	sand.u32 $0x7F, s11;
	s15 =	sand.u32 $0xFFFFFC00, s14  }
0xe: {  	s11 =	sor.u32 s30, s15  }
0xf: {  	s15 =	smulhi.u32 $0xCCCCCCCD, s11  }
0x10: {  	s14 =	smulhi.u32 $0xCCCCCCCD, s14  }
0x11: {  	s15 =	sshrl.u32 s15, $0x12  }
0x12: {  	s14 =	sshrl.u32 s14, $0x12;
	s15 =	smul.u32 $0x50000, s15  }
0x13: {  	s14 =	sand.u32 $0x1F, s14  }
0x14: {  	s14 =	smul.u32 $0xA000, s14;
	s11 =	ssub.s32 s11, s15  }
0x15: {  	s15 =	sand.u32 $0x7, s11  }
0x16: {  	s14 =	sadd.s32 s2, s14;
	s11 =	sshrl.u32 s11, $0x3;
	s15 =	sshll.u32 s15, $0x12  }
0x17: {  	[tilespmem:s13+$0x0 ss:$0x81] =	vst.msk $0xffff, v0;
	s11 =	sadd.s32 s11, s14;
	s31 =	sor.u32 $0x400, s15  }
0x18: {  	[hbm4b:s11+s31] =	stream.strided.scatter [tilespmem:s12], [sflag:$0x2], $0x1000, s8, s31, $0x20;
	[tilespmem:$0x4040] =	vst v63  }
.LBB1_5:
0x19: {  	s13 =	sadd.s32 $0x1000, s9  }
0x1a: {  	p2 =	sgt.s32 s13, $0x4FFFF  }
0x1b: {  	s13 =	smov.u32 @p2 s3;
	p2 =	sne.s32 s10, s7  }
.Ltmp1:
0x1c: {  	p1 =	slt.u32 s10, $0x2;
	(pc) =	sbr.rel @!p2 .LBB1_6-.Ltmp1, $4  }
0x1d: {  	s12 =	simm.s32 @!p1 $0x2  }
0x1e: {  	s14 =	sadd.s32 $0x1, s10;
	_ =	swait.ge @!p1 [sflag:s12], $0x1000  }
0x1f: {  	s11 =	smov.u32 s9;
	p0 =	por !p0, !p0;
	[sflag:s12] =	ssyncset.done @!p1 $0x0  }
0x20: {  	s10 =	smov.u32 s14;
	s9 =	smov.u32 s13;
	[sflag:s12] =	ssyncadd.s32 @!p1 $0xFFFFF000  }
.LBB1_1:
0x21: {  	p1 =	sge.u32 s10, s6  }
0x22: {  	s12 =	sand.u32 @!p1 $0x1FFFFFF, s9  }
0x23: {  	s13 =	smulhi.u32 @!p1 $0xCCCCCD, s12;
	_ =	sdelay $0x1  }
0x24: {  	s13 =	sshrl.u32 @!p1 s13, $0xA  }
0x25: {  	s13 =	smul.u32 @!p1 $0x50000, s13;
	_ =	sdelay $0x1  }
0x26: {  	s31 =	sadd.s32 $0xFFFFFFFF, s10;
	s14 =	sxor.u32 @!p1 $0xFFFFFFFF, s10;
	s12 =	ssub.s32 @!p1 s12, s13  }
0x27: {  	s15 =	simm.s32 @!p1 $0x80;
	s14 =	sshll.u32 @!p1 s14, $0xC;
	s12 =	sshll.u32 @!p1 s12, $0x4  }
0x28: {  	s13 =	sand.u32 @!p1 $0x1000, s14;
	s14 =	simm.s32 @!p1 $0x20;
	s12 =	sadd.s32 @!p1 s4, s12  }
0x29: {  	[tilespmem:s13], [sflag:$0x1] =	stream.strided.gather @!p1 [hbm4b:s12+s14], $0x1000, s15, s14, $0x38;
	[tilespmem:$0x4040] =	vst v63  }
0x2a: {  	p1 =	sge.u32 s31, s6  }
.Ltmp2:
0x2b: {  	_ = 	snop;
	(pc) =	sbr.rel @p1 .LBB1_5-.Ltmp2, $1  }
0x2c: {  	_ =	sdelay $0x3  }
0x2d: {  	s12 =	simm.s32 $0x1  }
0x2e: {  	_ =	swait.ge [sflag:s5], $0x1000;
	s12 =	simm.s32 @!p0 $0x0  }
0x2f: {  	[sflag:s5] =	ssyncset.done $0x0;
	s13 =	sshll.u32 s12, $0xC  }
0x30: {  	[sflag:s5] =	ssyncadd.s32 $0xFFFFF000;
	s16 =	sor.u32 $0x10, s13  }
0x31: {  	s12 =	smul.u32 $0x4080, s12;
	v1 =	vld [tilespmem:s16+$0x0]  }
0x32: {  	s30 =	sand.u32 $0x1, s10;
	v0 =	vld [tilespmem:s16+$0xFFFFFFF0]  }
0x33: {  	s13 =	smul.u32 $0x4080, s30;
	s12 =	sshrl.u32 s12, $0x2  }
0x34: {  	s14 =	sor.u32 $0x2000, s12  }
0x35: {  	s31 =	sshrl.u32 s13, $0x2;
	s13 =	sadd.s32 $0x0, s14  }
0x36: {  	s15 =	simm.s32 $0x4;
	s16 =	sadd.s32 $0x20, s16;
	s12 =	sor.u32 $0x2000, s31;
	[tilespmem:s13+$0x810 ss:$0x81] =	vst.msk $0xffff, v1  }
.LBB1_3:
0x37: {  	v1 =	vld [tilespmem:s16+$0x0];
	p1 =	sne.s32 s15, $0x1FC;
	[tilespmem:s13+$0x0 ss:$0x81] =	vst.msk $0xffff, v0;
	s13 =	smov.u32 s15;
	s15 =	sadd.s32 $0x4, s15  }
.Ltmp3:
0x38: {  	v0 =	vld [tilespmem:s16+$0xFFFFFFF0];
	(pc) =	sbr.rel @p1 .LBB1_3-.Ltmp3, $4  }
0x39: {  	_ = 	snop  }
0x3a: {  	s13 =	sshra.s32 s13, $0x2  }
0x3b: {  	s13 =	sadd.s32 s13, s14  }
0x3c: {  	s16 =	sadd.s32 $0x20, s16;
	[tilespmem:s13+$0x810 ss:$0x81] =	vst.msk $0xffff, v1  }
.Ltmp4:
0x3d: {  	_ = 	snop;
	(pc) =	sbr.rel .LBB1_4-.Ltmp4, $1  }
0x3e: {  	_ =	sdelay $0x3  }
.LBB1_6:
0x3f: {  	_ =	sfence.sel $0x180000  }
0x40: {  	s2 =	simm.s32 $0x1;
	[bflag:$0x0] =	sbarrier.arrive $0xFFFF  }
0x41: {  	s31 =	simm.s32 $0x2;
	[sflag:s2] =	ssyncpa.u1 $0x1  }
0x42: {  	[sflag:s31] =	ssyncpa.u1 $0x1  }
0x43: {  	p0 =	sne.s32 s0, $0x0;
	_ =	strace $0x9000004A  }
0x44: {  	s0 =	sadd.s32 @!p0 $0x100000, s1;
	[bflag:$0x2] =	sbarrier.arrive $0xFFFF  }
0x45: {  	[sflag:s0] =	ssyncadd.tile.s32 @!p0 $0x1;
	_ =	shalt  }
.Lfunc_end1:
_tile_overlayer_lowered:
.L_overlay_start_2:
0x46: {  	(tag) =	ssettag $0x2  }
0x47: {  	s0 =	rddreg [dreg:$0x0];
	s2 =	stileid.u32  }
0x48: {  	s1 =	rddreg [dreg:$0x1];
	p0 =	sne.s32 s2, $0x0  }
0x49: {  	s3 =	rddreg [dreg:$0x2];
	[bflag:$0x3] =	sbarrier.arrive $0xFFFF;
	s2 =	simm.s32 @!p0 $0x1C01  }
0x4a: {  	[timem:s3], [sflag:s2] =	dma.local @!p0 [hbm:s0], s1  }
0x4b: {  	s0 =	simm.s32 @!p0 $0x1  }
0x4c: {  	_ =	swait.ge @!p0 [sflag:s0], s1  }
0x4d: {  	s1 =	ssub.s32 @!p0 $0x0, s1;
	[sflag:s0] =	ssyncset.done @!p0 $0x0  }
0x4e: {  	[sflag:s0] =	ssyncadd.s32 @!p0 s1  }
0x4f: {  	[bflag:$0x3] =	sbarrier.arrive $0xFFFF  }
0x50: {  	_ =	shalt  }

</sc_bundles>
